<compile_context>
chip_gen: v7x
topology: tpu7x:2x2x1
jax: 0.10.2.dev20260603
libtpu: 0.0.44.dev20260713+nightly
codegen_flags: <defaults>
</compile_context>

<pallas_src>
import functools
import jax
import jax.numpy as jnp
from jax import lax
from jax.experimental import pallas as pl
from jax.experimental.pallas import tpu as pltpu
from jax.experimental.pallas import tpu_sc as plsc

_TOKENS = 32768
_D = 1024
_E = 8
_BT = 2048

_NC = 2
_NS = 16
_NW = _NC * _NS
_TPW = _TOKENS // _NW
_L = 16
_NCHUNK = _TPW // _L


def _tc_logits_block(x_ref, w_ref, b_ref, lt_ref):
    x = x_ref[...]
    w = w_ref[...]
    logits = jax.lax.dot_general(
        x, w, (((1,), (1,)), ((), ())), preferred_element_type=jnp.float32)
    lt_ref[...] = logits.T + b_ref[...]


_sc_mesh = plsc.VectorSubcoreMesh(core_axis_name="c", subcore_axis_name="s")


@functools.partial(
    pl.kernel,
    mesh=_sc_mesh,
    out_type=[
        jax.ShapeDtypeStruct((2, _TOKENS), jnp.float32),
        jax.ShapeDtypeStruct((2, _TOKENS), jnp.int32),
    ],
    scratch_types=[
        pltpu.VMEM((_E, _TPW), jnp.float32),
        pltpu.VMEM((2, _TPW), jnp.float32),
        pltpu.VMEM((2, _TPW), jnp.int32),
    ],
)
def _sc_select(lt_hbm, vals_hbm, idx_hbm, lbuf, vbuf, ibuf):
    wid = lax.axis_index("s") * _NC + lax.axis_index("c")
    base = wid * _TPW
    for e in range(_E):
        pltpu.sync_copy(lt_hbm.at[e, pl.ds(base, _TPW)], lbuf.at[e])

    def body(c, carry):
        vs = [lbuf[e, pl.ds(c * _L, _L)] for e in range(_E)]
        m1 = vs[0]
        i1 = jnp.zeros((_L,), jnp.int32)
        for e in range(1, _E):
            better = vs[e] > m1
            m1 = jnp.where(better, vs[e], m1)
            i1 = jnp.where(better, jnp.int32(e), i1)
        m2 = jnp.full((_L,), -jnp.inf, jnp.float32)
        i2 = jnp.full((_L,), _E, jnp.int32)
        for e in range(_E):
            v = jnp.where(i1 == e, -jnp.inf, vs[e])
            better = v > m2
            m2 = jnp.where(better, v, m2)
            i2 = jnp.where(better, jnp.int32(e), i2)
        one = jnp.float32(1.0)
        s1 = one / (one + jnp.exp(-m1))
        s2 = one / (one + jnp.exp(-m2))
        sl = pl.ds(c * _L, _L)
        vbuf[0, sl] = s1
        vbuf[1, sl] = s2
        ibuf[0, sl] = i1
        ibuf[1, sl] = i2
        return carry

    lax.fori_loop(0, _NCHUNK, body, 0)
    for r in range(2):
        pltpu.sync_copy(vbuf.at[r], vals_hbm.at[r, pl.ds(base, _TPW)])
        pltpu.sync_copy(ibuf.at[r], idx_hbm.at[r, pl.ds(base, _TPW)])


def kernel(x, W, b):
    b2 = b.reshape(_E, 1)
    grid = (_TOKENS // _BT,)
    lt = pl.pallas_call(
        _tc_logits_block,
        grid=grid,
        in_specs=[
            pl.BlockSpec((_BT, _D), lambda i: (i, 0)),
            pl.BlockSpec((_E, _D), lambda i: (0, 0)),
            pl.BlockSpec((_E, 1), lambda i: (0, 0)),
        ],
        out_specs=pl.BlockSpec((_E, _BT), lambda i: (0, i)),
        out_shape=jax.ShapeDtypeStruct((_E, _TOKENS), jnp.float32),
        compiler_params=pltpu.CompilerParams(
            dimension_semantics=("parallel",),
        ),
    )(x, W, b2)
    vals_t, idx_t = _sc_select(lt)
    return vals_t.T, idx_t.T

# --- scband reference (transcript-rebuilt; emitter-appended) ---
"""Pipeline reference for scband-confidence-guided-gate-82231443849381 (READ-ONLY COPY).

The authoritative reference and input builder live on the scoring server;
editing this copy changes nothing except your own understanding.
"""

import jax, jax.numpy as jnp
import numpy as np

TOKENS = 32768
D_MODEL = 1024
NUM_EXPERTS = 8
TOP_K = 2

def setup_inputs(seed: int = 0) -> dict:
    key = jax.random.key(seed)
    kx, kw, kb = jax.random.split(key, 3)
    x = jax.random.normal(kx, (TOKENS, D_MODEL), dtype=jnp.float32)
    # nn.Linear(input_dim, num_experts): weight [num_experts, input_dim], bias [num_experts]
    bound = 1.0 / np.sqrt(D_MODEL)
    W = jax.random.uniform(kw, (NUM_EXPERTS, D_MODEL), dtype=jnp.float32, minval=-bound, maxval=bound)
    b = jax.random.uniform(kb, (NUM_EXPERTS,), dtype=jnp.float32, minval=-bound, maxval=bound)
    return {"x": x, "W": W, "b": b}

def reference(x, W, b):
    # logits = self.gate(x)
    logits = x @ W.T + b
    # confidence_scores = torch.sigmoid(logits)
    confidence_scores = jax.nn.sigmoid(logits)
    # top_k over dim=1
    top_k_vals, top_k_indices = jax.lax.top_k(confidence_scores, TOP_K)
    return (top_k_vals, top_k_indices)

if __name__ == "__main__":
    import jax
    _d = setup_inputs()
    print(jax.jit(kernel)(*tuple(_d.values())))

</pallas_src>

<mosaic_0001>
#map = affine_map<(d0, d1) -> (0, 0)>
module attributes {stable_mosaic.version = 14 : i64} {
  func.func @_sc_select(%arg0: i32, %arg1: i32, %arg2: memref<8x32768xf32, #tpu.memory_space<hbm>>, %arg3: memref<2x32768xf32, #tpu.memory_space<hbm>>, %arg4: memref<2x32768xi32, #tpu.memory_space<hbm>>, %arg5: memref<8x1024xf32, #tpu.memory_space<vmem>>, %arg6: memref<2x1024xf32, #tpu.memory_space<vmem>>, %arg7: memref<2x1024xi32, #tpu.memory_space<vmem>>) attributes {dimension_semantics = [#tpu.dimension_semantics<core_parallel>, #tpu.dimension_semantics<subcore_parallel>], iteration_bounds = array<i64: 2, 16>, scalar_prefetch = 0 : i64, scratch_operands = 3 : i64, tpu.core_type = #tpu.core_type<sc_vector_subcore>, window_params = [{transform_indices = #map}, {transform_indices = #map}, {transform_indices = #map}]} {
    %mul3A = arith.constant 2 : i32
    %mul3A_0 = arith.muli %arg1, %mul3A : i32
    %add3A = arith.addi %mul3A_0, %arg0 : i32
    %mul3A_1 = arith.constant 1024 : i32
    %mul3A_2 = arith.muli %add3A, %mul3A_1 : i32
    %run_scoped3A = arith.constant 0 : i32
    %run_scoped3A_3 = arith.constant 0 : i32
    "tpu.region"() ({
      %run_scoped3A_31 = tpu.sem_alloc : memref<!tpu.dma_semaphore, #tpu.memory_space<semaphore_mem>>
      %dma_start3A = arith.constant 0 : i32
      %dma_start3A_32 = tpu.memref_slice %arg5[%run_scoped3A_3, %dma_start3A] : memref<8x1024xf32, #tpu.memory_space<vmem>> -> memref<1x1024xf32, #tpu.memory_space<vmem>>
      %dma_start3A_33 = tpu.memref_squeeze %dma_start3A_32 : memref<1x1024xf32, #tpu.memory_space<vmem>> -> memref<1024xf32, #tpu.memory_space<vmem>>
      %dma_start3A_34 = tpu.memref_slice %arg2[%run_scoped3A, %mul3A_2] : memref<8x32768xf32, #tpu.memory_space<hbm>> -> memref<1x1024xf32, #tpu.memory_space<hbm>>
      %dma_start3A_35 = tpu.memref_squeeze %dma_start3A_34 : memref<1x1024xf32, #tpu.memory_space<hbm>> -> memref<1024xf32, #tpu.memory_space<hbm>>
      %dma_start3A_36 = arith.constant 0 : i32
      %dma_start3A_37 = tpu.memref_slice %arg5[%run_scoped3A_3, %dma_start3A_36] : memref<8x1024xf32, #tpu.memory_space<vmem>> -> memref<1x1024xf32, #tpu.memory_space<vmem>>
      %dma_start3A_38 = tpu.memref_squeeze %dma_start3A_37 : memref<1x1024xf32, #tpu.memory_space<vmem>> -> memref<1024xf32, #tpu.memory_space<vmem>>
      %dma_start3A_39 = tpu.memref_slice %arg2[%run_scoped3A, %mul3A_2] : memref<8x32768xf32, #tpu.memory_space<hbm>> -> memref<1x1024xf32, #tpu.memory_space<hbm>>
      %dma_start3A_40 = tpu.memref_squeeze %dma_start3A_39 : memref<1x1024xf32, #tpu.memory_space<hbm>> -> memref<1024xf32, #tpu.memory_space<hbm>>
      tpu.enqueue_dma source(%dma_start3A_40 : memref<1024xf32, #tpu.memory_space<hbm>>) target(%dma_start3A_38 : memref<1024xf32, #tpu.memory_space<vmem>>) target_semaphore(%run_scoped3A_31 : memref<!tpu.dma_semaphore, #tpu.memory_space<semaphore_mem>>)
      %dma_wait3A = arith.constant 0 : i32
      %dma_wait3A_41 = tpu.memref_slice %arg5[%run_scoped3A_3, %dma_wait3A] : memref<8x1024xf32, #tpu.memory_space<vmem>> -> memref<1x1024xf32, #tpu.memory_space<vmem>>
      %dma_wait3A_42 = tpu.memref_squeeze %dma_wait3A_41 : memref<1x1024xf32, #tpu.memory_space<vmem>> -> memref<1024xf32, #tpu.memory_space<vmem>>
      %dma_wait3A_43 = tpu.memref_slice %arg2[%run_scoped3A, %mul3A_2] : memref<8x32768xf32, #tpu.memory_space<hbm>> -> memref<1x1024xf32, #tpu.memory_space<hbm>>
      %dma_wait3A_44 = tpu.memref_squeeze %dma_wait3A_43 : memref<1x1024xf32, #tpu.memory_space<hbm>> -> memref<1024xf32, #tpu.memory_space<hbm>>
      %dma_wait3A_45 = arith.constant 0 : i32
      %dma_wait3A_46 = tpu.memref_slice %arg5[%run_scoped3A_3, %dma_wait3A_45] : memref<8x1024xf32, #tpu.memory_space<vmem>> -> memref<1x1024xf32, #tpu.memory_space<vmem>>
      %dma_wait3A_47 = tpu.memref_squeeze %dma_wait3A_46 : memref<1x1024xf32, #tpu.memory_space<vmem>> -> memref<1024xf32, #tpu.memory_space<vmem>>
      %dma_wait3A_48 = tpu.memref_slice %arg2[%run_scoped3A, %mul3A_2] : memref<8x32768xf32, #tpu.memory_space<hbm>> -> memref<1x1024xf32, #tpu.memory_space<hbm>>
      %dma_wait3A_49 = tpu.memref_squeeze %dma_wait3A_48 : memref<1x1024xf32, #tpu.memory_space<hbm>> -> memref<1024xf32, #tpu.memory_space<hbm>>
      tpu.wait_dma2 semaphore(%run_scoped3A_31 : memref<!tpu.dma_semaphore, #tpu.memory_space<semaphore_mem>>) src(%dma_wait3A_49 : memref<1024xf32, #tpu.memory_space<hbm>>) dst(%dma_wait3A_47 : memref<1024xf32, #tpu.memory_space<vmem>>)
      tpu.yield
    }) : () -> ()
    %run_scoped3A_4 = arith.constant 1 : i32
    %run_scoped3A_5 = arith.constant 1 : i32
    "tpu.region"() ({
      %run_scoped3A_31 = tpu.sem_alloc : memref<!tpu.dma_semaphore, #tpu.memory_space<semaphore_mem>>
      %dma_start3A = arith.constant 0 : i32
      %dma_start3A_32 = tpu.memref_slice %arg5[%run_scoped3A_5, %dma_start3A] : memref<8x1024xf32, #tpu.memory_space<vmem>> -> memref<1x1024xf32, #tpu.memory_space<vmem>>
      %dma_start3A_33 = tpu.memref_squeeze %dma_start3A_32 : memref<1x1024xf32, #tpu.memory_space<vmem>> -> memref<1024xf32, #tpu.memory_space<vmem>>
      %dma_start3A_34 = tpu.memref_slice %arg2[%run_scoped3A_4, %mul3A_2] : memref<8x32768xf32, #tpu.memory_space<hbm>> -> memref<1x1024xf32, #tpu.memory_space<hbm>>
      %dma_start3A_35 = tpu.memref_squeeze %dma_start3A_34 : memref<1x1024xf32, #tpu.memory_space<hbm>> -> memref<1024xf32, #tpu.memory_space<hbm>>
      %dma_start3A_36 = arith.constant 0 : i32
      %dma_start3A_37 = tpu.memref_slice %arg5[%run_scoped3A_5, %dma_start3A_36] : memref<8x1024xf32, #tpu.memory_space<vmem>> -> memref<1x1024xf32, #tpu.memory_space<vmem>>
      %dma_start3A_38 = tpu.memref_squeeze %dma_start3A_37 : memref<1x1024xf32, #tpu.memory_space<vmem>> -> memref<1024xf32, #tpu.memory_space<vmem>>
      %dma_start3A_39 = tpu.memref_slice %arg2[%run_scoped3A_4, %mul3A_2] : memref<8x32768xf32, #tpu.memory_space<hbm>> -> memref<1x1024xf32, #tpu.memory_space<hbm>>
      %dma_start3A_40 = tpu.memref_squeeze %dma_start3A_39 : memref<1x1024xf32, #tpu.memory_space<hbm>> -> memref<1024xf32, #tpu.memory_space<hbm>>
      tpu.enqueue_dma source(%dma_start3A_40 : memref<1024xf32, #tpu.memory_space<hbm>>) target(%dma_start3A_38 : memref<1024xf32, #tpu.memory_space<vmem>>) target_semaphore(%run_scoped3A_31 : memref<!tpu.dma_semaphore, #tpu.memory_space<semaphore_mem>>)
      %dma_wait3A = arith.constant 0 : i32
      %dma_wait3A_41 = tpu.memref_slice %arg5[%run_scoped3A_5, %dma_wait3A] : memref<8x1024xf32, #tpu.memory_space<vmem>> -> memref<1x1024xf32, #tpu.memory_space<vmem>>
      %dma_wait3A_42 = tpu.memref_squeeze %dma_wait3A_41 : memref<1x1024xf32, #tpu.memory_space<vmem>> -> memref<1024xf32, #tpu.memory_space<vmem>>
      %dma_wait3A_43 = tpu.memref_slice %arg2[%run_scoped3A_4, %mul3A_2] : memref<8x32768xf32, #tpu.memory_space<hbm>> -> memref<1x1024xf32, #tpu.memory_space<hbm>>
      %dma_wait3A_44 = tpu.memref_squeeze %dma_wait3A_43 : memref<1x1024xf32, #tpu.memory_space<hbm>> -> memref<1024xf32, #tpu.memory_space<hbm>>
      %dma_wait3A_45 = arith.constant 0 : i32
      %dma_wait3A_46 = tpu.memref_slice %arg5[%run_scoped3A_5, %dma_wait3A_45] : memref<8x1024xf32, #tpu.memory_space<vmem>> -> memref<1x1024xf32, #tpu.memory_space<vmem>>
      %dma_wait3A_47 = tpu.memref_squeeze %dma_wait3A_46 : memref<1x1024xf32, #tpu.memory_space<vmem>> -> memref<1024xf32, #tpu.memory_space<vmem>>
      %dma_wait3A_48 = tpu.memref_slice %arg2[%run_scoped3A_4, %mul3A_2] : memref<8x32768xf32, #tpu.memory_space<hbm>> -> memref<1x1024xf32, #tpu.memory_space<hbm>>
      %dma_wait3A_49 = tpu.memref_squeeze %dma_wait3A_48 : memref<1x1024xf32, #tpu.memory_space<hbm>> -> memref<1024xf32, #tpu.memory_space<hbm>>
      tpu.wait_dma2 semaphore(%run_scoped3A_31 : memref<!tpu.dma_semaphore, #tpu.memory_space<semaphore_mem>>) src(%dma_wait3A_49 : memref<1024xf32, #tpu.memory_space<hbm>>) dst(%dma_wait3A_47 : memref<1024xf32, #tpu.memory_space<vmem>>)
      tpu.yield
    }) : () -> ()
    %run_scoped3A_6 = arith.constant 2 : i32
    %run_scoped3A_7 = arith.constant 2 : i32
    "tpu.region"() ({
      %run_scoped3A_31 = tpu.sem_alloc : memref<!tpu.dma_semaphore, #tpu.memory_space<semaphore_mem>>
      %dma_start3A = arith.constant 0 : i32
      %dma_start3A_32 = tpu.memref_slice %arg5[%run_scoped3A_7, %dma_start3A] : memref<8x1024xf32, #tpu.memory_space<vmem>> -> memref<1x1024xf32, #tpu.memory_space<vmem>>
      %dma_start3A_33 = tpu.memref_squeeze %dma_start3A_32 : memref<1x1024xf32, #tpu.memory_space<vmem>> -> memref<1024xf32, #tpu.memory_space<vmem>>
      %dma_start3A_34 = tpu.memref_slice %arg2[%run_scoped3A_6, %mul3A_2] : memref<8x32768xf32, #tpu.memory_space<hbm>> -> memref<1x1024xf32, #tpu.memory_space<hbm>>
      %dma_start3A_35 = tpu.memref_squeeze %dma_start3A_34 : memref<1x1024xf32, #tpu.memory_space<hbm>> -> memref<1024xf32, #tpu.memory_space<hbm>>
      %dma_start3A_36 = arith.constant 0 : i32
      %dma_start3A_37 = tpu.memref_slice %arg5[%run_scoped3A_7, %dma_start3A_36] : memref<8x1024xf32, #tpu.memory_space<vmem>> -> memref<1x1024xf32, #tpu.memory_space<vmem>>
      %dma_start3A_38 = tpu.memref_squeeze %dma_start3A_37 : memref<1x1024xf32, #tpu.memory_space<vmem>> -> memref<1024xf32, #tpu.memory_space<vmem>>
      %dma_start3A_39 = tpu.memref_slice %arg2[%run_scoped3A_6, %mul3A_2] : memref<8x32768xf32, #tpu.memory_space<hbm>> -> memref<1x1024xf32, #tpu.memory_space<hbm>>
      %dma_start3A_40 = tpu.memref_squeeze %dma_start3A_39 : memref<1x1024xf32, #tpu.memory_space<hbm>> -> memref<1024xf32, #tpu.memory_space<hbm>>
      tpu.enqueue_dma source(%dma_start3A_40 : memref<1024xf32, #tpu.memory_space<hbm>>) target(%dma_start3A_38 : memref<1024xf32, #tpu.memory_space<vmem>>) target_semaphore(%run_scoped3A_31 : memref<!tpu.dma_semaphore, #tpu.memory_space<semaphore_mem>>)
      %dma_wait3A = arith.constant 0 : i32
      %dma_wait3A_41 = tpu.memref_slice %arg5[%run_scoped3A_7, %dma_wait3A] : memref<8x1024xf32, #tpu.memory_space<vmem>> -> memref<1x1024xf32, #tpu.memory_space<vmem>>
      %dma_wait3A_42 = tpu.memref_squeeze %dma_wait3A_41 : memref<1x1024xf32, #tpu.memory_space<vmem>> -> memref<1024xf32, #tpu.memory_space<vmem>>
      %dma_wait3A_43 = tpu.memref_slice %arg2[%run_scoped3A_6, %mul3A_2] : memref<8x32768xf32, #tpu.memory_space<hbm>> -> memref<1x1024xf32, #tpu.memory_space<hbm>>
      %dma_wait3A_44 = tpu.memref_squeeze %dma_wait3A_43 : memref<1x1024xf32, #tpu.memory_space<hbm>> -> memref<1024xf32, #tpu.memory_space<hbm>>
      %dma_wait3A_45 = arith.constant 0 : i32
      %dma_wait3A_46 = tpu.memref_slice %arg5[%run_scoped3A_7, %dma_wait3A_45] : memref<8x1024xf32, #tpu.memory_space<vmem>> -> memref<1x1024xf32, #tpu.memory_space<vmem>>
      %dma_wait3A_47 = tpu.memref_squeeze %dma_wait3A_46 : memref<1x1024xf32, #tpu.memory_space<vmem>> -> memref<1024xf32, #tpu.memory_space<vmem>>
      %dma_wait3A_48 = tpu.memref_slice %arg2[%run_scoped3A_6, %mul3A_2] : memref<8x32768xf32, #tpu.memory_space<hbm>> -> memref<1x1024xf32, #tpu.memory_space<hbm>>
      %dma_wait3A_49 = tpu.memref_squeeze %dma_wait3A_48 : memref<1x1024xf32, #tpu.memory_space<hbm>> -> memref<1024xf32, #tpu.memory_space<hbm>>
      tpu.wait_dma2 semaphore(%run_scoped3A_31 : memref<!tpu.dma_semaphore, #tpu.memory_space<semaphore_mem>>) src(%dma_wait3A_49 : memref<1024xf32, #tpu.memory_space<hbm>>) dst(%dma_wait3A_47 : memref<1024xf32, #tpu.memory_space<vmem>>)
      tpu.yield
    }) : () -> ()
    %run_scoped3A_8 = arith.constant 3 : i32
    %run_scoped3A_9 = arith.constant 3 : i32
    "tpu.region"() ({
      %run_scoped3A_31 = tpu.sem_alloc : memref<!tpu.dma_semaphore, #tpu.memory_space<semaphore_mem>>
      %dma_start3A = arith.constant 0 : i32
      %dma_start3A_32 = tpu.memref_slice %arg5[%run_scoped3A_9, %dma_start3A] : memref<8x1024xf32, #tpu.memory_space<vmem>> -> memref<1x1024xf32, #tpu.memory_space<vmem>>
      %dma_start3A_33 = tpu.memref_squeeze %dma_start3A_32 : memref<1x1024xf32, #tpu.memory_space<vmem>> -> memref<1024xf32, #tpu.memory_space<vmem>>
      %dma_start3A_34 = tpu.memref_slice %arg2[%run_scoped3A_8, %mul3A_2] : memref<8x32768xf32, #tpu.memory_space<hbm>> -> memref<1x1024xf32, #tpu.memory_space<hbm>>
      %dma_start3A_35 = tpu.memref_squeeze %dma_start3A_34 : memref<1x1024xf32, #tpu.memory_space<hbm>> -> memref<1024xf32, #tpu.memory_space<hbm>>
      %dma_start3A_36 = arith.constant 0 : i32
      %dma_start3A_37 = tpu.memref_slice %arg5[%run_scoped3A_9, %dma_start3A_36] : memref<8x1024xf32, #tpu.memory_space<vmem>> -> memref<1x1024xf32, #tpu.memory_space<vmem>>
      %dma_start3A_38 = tpu.memref_squeeze %dma_start3A_37 : memref<1x1024xf32, #tpu.memory_space<vmem>> -> memref<1024xf32, #tpu.memory_space<vmem>>
      %dma_start3A_39 = tpu.memref_slice %arg2[%run_scoped3A_8, %mul3A_2] : memref<8x32768xf32, #tpu.memory_space<hbm>> -> memref<1x1024xf32, #tpu.memory_space<hbm>>
      %dma_start3A_40 = tpu.memref_squeeze %dma_start3A_39 : memref<1x1024xf32, #tpu.memory_space<hbm>> -> memref<1024xf32, #tpu.memory_space<hbm>>
      tpu.enqueue_dma source(%dma_start3A_40 : memref<1024xf32, #tpu.memory_space<hbm>>) target(%dma_start3A_38 : memref<1024xf32, #tpu.memory_space<vmem>>) target_semaphore(%run_scoped3A_31 : memref<!tpu.dma_semaphore, #tpu.memory_space<semaphore_mem>>)
      %dma_wait3A = arith.constant 0 : i32
      %dma_wait3A_41 = tpu.memref_slice %arg5[%run_scoped3A_9, %dma_wait3A] : memref<8x1024xf32, #tpu.memory_space<vmem>> -> memref<1x1024xf32, #tpu.memory_space<vmem>>
      %dma_wait3A_42 = tpu.memref_squeeze %dma_wait3A_41 : memref<1x1024xf32, #tpu.memory_space<vmem>> -> memref<1024xf32, #tpu.memory_space<vmem>>
      %dma_wait3A_43 = tpu.memref_slice %arg2[%run_scoped3A_8, %mul3A_2] : memref<8x32768xf32, #tpu.memory_space<hbm>> -> memref<1x1024xf32, #tpu.memory_space<hbm>>
      %dma_wait3A_44 = tpu.memref_squeeze %dma_wait3A_43 : memref<1x1024xf32, #tpu.memory_space<hbm>> -> memref<1024xf32, #tpu.memory_space<hbm>>
      %dma_wait3A_45 = arith.constant 0 : i32
      %dma_wait3A_46 = tpu.memref_slice %arg5[%run_scoped3A_9, %dma_wait3A_45] : memref<8x1024xf32, #tpu.memory_space<vmem>> -> memref<1x1024xf32, #tpu.memory_space<vmem>>
      %dma_wait3A_47 = tpu.memref_squeeze %dma_wait3A_46 : memref<1x1024xf32, #tpu.memory_space<vmem>> -> memref<1024xf32, #tpu.memory_space<vmem>>
      %dma_wait3A_48 = tpu.memref_slice %arg2[%run_scoped3A_8, %mul3A_2] : memref<8x32768xf32, #tpu.memory_space<hbm>> -> memref<1x1024xf32, #tpu.memory_space<hbm>>
      %dma_wait3A_49 = tpu.memref_squeeze %dma_wait3A_48 : memref<1x1024xf32, #tpu.memory_space<hbm>> -> memref<1024xf32, #tpu.memory_space<hbm>>
      tpu.wait_dma2 semaphore(%run_scoped3A_31 : memref<!tpu.dma_semaphore, #tpu.memory_space<semaphore_mem>>) src(%dma_wait3A_49 : memref<1024xf32, #tpu.memory_space<hbm>>) dst(%dma_wait3A_47 : memref<1024xf32, #tpu.memory_space<vmem>>)
      tpu.yield
    }) : () -> ()
    %run_scoped3A_10 = arith.constant 4 : i32
    %run_scoped3A_11 = arith.constant 4 : i32
    "tpu.region"() ({
      %run_scoped3A_31 = tpu.sem_alloc : memref<!tpu.dma_semaphore, #tpu.memory_space<semaphore_mem>>
      %dma_start3A = arith.constant 0 : i32
      %dma_start3A_32 = tpu.memref_slice %arg5[%run_scoped3A_11, %dma_start3A] : memref<8x1024xf32, #tpu.memory_space<vmem>> -> memref<1x1024xf32, #tpu.memory_space<vmem>>
      %dma_start3A_33 = tpu.memref_squeeze %dma_start3A_32 : memref<1x1024xf32, #tpu.memory_space<vmem>> -> memref<1024xf32, #tpu.memory_space<vmem>>
      %dma_start3A_34 = tpu.memref_slice %arg2[%run_scoped3A_10, %mul3A_2] : memref<8x32768xf32, #tpu.memory_space<hbm>> -> memref<1x1024xf32, #tpu.memory_space<hbm>>
      %dma_start3A_35 = tpu.memref_squeeze %dma_start3A_34 : memref<1x1024xf32, #tpu.memory_space<hbm>> -> memref<1024xf32, #tpu.memory_space<hbm>>
      %dma_start3A_36 = arith.constant 0 : i32
      %dma_start3A_37 = tpu.memref_slice %arg5[%run_scoped3A_11, %dma_start3A_36] : memref<8x1024xf32, #tpu.memory_space<vmem>> -> memref<1x1024xf32, #tpu.memory_space<vmem>>
      %dma_start3A_38 = tpu.memref_squeeze %dma_start3A_37 : memref<1x1024xf32, #tpu.memory_space<vmem>> -> memref<1024xf32, #tpu.memory_space<vmem>>
      %dma_start3A_39 = tpu.memref_slice %arg2[%run_scoped3A_10, %mul3A_2] : memref<8x32768xf32, #tpu.memory_space<hbm>> -> memref<1x1024xf32, #tpu.memory_space<hbm>>
      %dma_start3A_40 = tpu.memref_squeeze %dma_start3A_39 : memref<1x1024xf32, #tpu.memory_space<hbm>> -> memref<1024xf32, #tpu.memory_space<hbm>>
      tpu.enqueue_dma source(%dma_start3A_40 : memref<1024xf32, #tpu.memory_space<hbm>>) target(%dma_start3A_38 : memref<1024xf32, #tpu.memory_space<vmem>>) target_semaphore(%run_scoped3A_31 : memref<!tpu.dma_semaphore, #tpu.memory_space<semaphore_mem>>)
      %dma_wait3A = arith.constant 0 : i32
      %dma_wait3A_41 = tpu.memref_slice %arg5[%run_scoped3A_11, %dma_wait3A] : memref<8x1024xf32, #tpu.memory_space<vmem>> -> memref<1x1024xf32, #tpu.memory_space<vmem>>
      %dma_wait3A_42 = tpu.memref_squeeze %dma_wait3A_41 : memref<1x1024xf32, #tpu.memory_space<vmem>> -> memref<1024xf32, #tpu.memory_space<vmem>>
      %dma_wait3A_43 = tpu.memref_slice %arg2[%run_scoped3A_10, %mul3A_2] : memref<8x32768xf32, #tpu.memory_space<hbm>> -> memref<1x1024xf32, #tpu.memory_space<hbm>>
      %dma_wait3A_44 = tpu.memref_squeeze %dma_wait3A_43 : memref<1x1024xf32, #tpu.memory_space<hbm>> -> memref<1024xf32, #tpu.memory_space<hbm>>
      %dma_wait3A_45 = arith.constant 0 : i32
      %dma_wait3A_46 = tpu.memref_slice %arg5[%run_scoped3A_11, %dma_wait3A_45] : memref<8x1024xf32, #tpu.memory_space<vmem>> -> memref<1x1024xf32, #tpu.memory_space<vmem>>
      %dma_wait3A_47 = tpu.memref_squeeze %dma_wait3A_46 : memref<1x1024xf32, #tpu.memory_space<vmem>> -> memref<1024xf32, #tpu.memory_space<vmem>>
      %dma_wait3A_48 = tpu.memref_slice %arg2[%run_scoped3A_10, %mul3A_2] : memref<8x32768xf32, #tpu.memory_space<hbm>> -> memref<1x1024xf32, #tpu.memory_space<hbm>>
      %dma_wait3A_49 = tpu.memref_squeeze %dma_wait3A_48 : memref<1x1024xf32, #tpu.memory_space<hbm>> -> memref<1024xf32, #tpu.memory_space<hbm>>
      tpu.wait_dma2 semaphore(%run_scoped3A_31 : memref<!tpu.dma_semaphore, #tpu.memory_space<semaphore_mem>>) src(%dma_wait3A_49 : memref<1024xf32, #tpu.memory_space<hbm>>) dst(%dma_wait3A_47 : memref<1024xf32, #tpu.memory_space<vmem>>)
      tpu.yield
    }) : () -> ()
    %run_scoped3A_12 = arith.constant 5 : i32
    %run_scoped3A_13 = arith.constant 5 : i32
    "tpu.region"() ({
      %run_scoped3A_31 = tpu.sem_alloc : memref<!tpu.dma_semaphore, #tpu.memory_space<semaphore_mem>>
      %dma_start3A = arith.constant 0 : i32
      %dma_start3A_32 = tpu.memref_slice %arg5[%run_scoped3A_13, %dma_start3A] : memref<8x1024xf32, #tpu.memory_space<vmem>> -> memref<1x1024xf32, #tpu.memory_space<vmem>>
      %dma_start3A_33 = tpu.memref_squeeze %dma_start3A_32 : memref<1x1024xf32, #tpu.memory_space<vmem>> -> memref<1024xf32, #tpu.memory_space<vmem>>
      %dma_start3A_34 = tpu.memref_slice %arg2[%run_scoped3A_12, %mul3A_2] : memref<8x32768xf32, #tpu.memory_space<hbm>> -> memref<1x1024xf32, #tpu.memory_space<hbm>>
      %dma_start3A_35 = tpu.memref_squeeze %dma_start3A_34 : memref<1x1024xf32, #tpu.memory_space<hbm>> -> memref<1024xf32, #tpu.memory_space<hbm>>
      %dma_start3A_36 = arith.constant 0 : i32
      %dma_start3A_37 = tpu.memref_slice %arg5[%run_scoped3A_13, %dma_start3A_36] : memref<8x1024xf32, #tpu.memory_space<vmem>> -> memref<1x1024xf32, #tpu.memory_space<vmem>>
      %dma_start3A_38 = tpu.memref_squeeze %dma_start3A_37 : memref<1x1024xf32, #tpu.memory_space<vmem>> -> memref<1024xf32, #tpu.memory_space<vmem>>
      %dma_start3A_39 = tpu.memref_slice %arg2[%run_scoped3A_12, %mul3A_2] : memref<8x32768xf32, #tpu.memory_space<hbm>> -> memref<1x1024xf32, #tpu.memory_space<hbm>>
      %dma_start3A_40 = tpu.memref_squeeze %dma_start3A_39 : memref<1x1024xf32, #tpu.memory_space<hbm>> -> memref<1024xf32, #tpu.memory_space<hbm>>
      tpu.enqueue_dma source(%dma_start3A_40 : memref<1024xf32, #tpu.memory_space<hbm>>) target(%dma_start3A_38 : memref<1024xf32, #tpu.memory_space<vmem>>) target_semaphore(%run_scoped3A_31 : memref<!tpu.dma_semaphore, #tpu.memory_space<semaphore_mem>>)
      %dma_wait3A = arith.constant 0 : i32
      %dma_wait3A_41 = tpu.memref_slice %arg5[%run_scoped3A_13, %dma_wait3A] : memref<8x1024xf32, #tpu.memory_space<vmem>> -> memref<1x1024xf32, #tpu.memory_space<vmem>>
      %dma_wait3A_42 = tpu.memref_squeeze %dma_wait3A_41 : memref<1x1024xf32, #tpu.memory_space<vmem>> -> memref<1024xf32, #tpu.memory_space<vmem>>
      %dma_wait3A_43 = tpu.memref_slice %arg2[%run_scoped3A_12, %mul3A_2] : memref<8x32768xf32, #tpu.memory_space<hbm>> -> memref<1x1024xf32, #tpu.memory_space<hbm>>
      %dma_wait3A_44 = tpu.memref_squeeze %dma_wait3A_43 : memref<1x1024xf32, #tpu.memory_space<hbm>> -> memref<1024xf32, #tpu.memory_space<hbm>>
      %dma_wait3A_45 = arith.constant 0 : i32
      %dma_wait3A_46 = tpu.memref_slice %arg5[%run_scoped3A_13, %dma_wait3A_45] : memref<8x1024xf32, #tpu.memory_space<vmem>> -> memref<1x1024xf32, #tpu.memory_space<vmem>>
      %dma_wait3A_47 = tpu.memref_squeeze %dma_wait3A_46 : memref<1x1024xf32, #tpu.memory_space<vmem>> -> memref<1024xf32, #tpu.memory_space<vmem>>
      %dma_wait3A_48 = tpu.memref_slice %arg2[%run_scoped3A_12, %mul3A_2] : memref<8x32768xf32, #tpu.memory_space<hbm>> -> memref<1x1024xf32, #tpu.memory_space<hbm>>
      %dma_wait3A_49 = tpu.memref_squeeze %dma_wait3A_48 : memref<1x1024xf32, #tpu.memory_space<hbm>> -> memref<1024xf32, #tpu.memory_space<hbm>>
      tpu.wait_dma2 semaphore(%run_scoped3A_31 : memref<!tpu.dma_semaphore, #tpu.memory_space<semaphore_mem>>) src(%dma_wait3A_49 : memref<1024xf32, #tpu.memory_space<hbm>>) dst(%dma_wait3A_47 : memref<1024xf32, #tpu.memory_space<vmem>>)
      tpu.yield
    }) : () -> ()
    %run_scoped3A_14 = arith.constant 6 : i32
    %run_scoped3A_15 = arith.constant 6 : i32
    "tpu.region"() ({
      %run_scoped3A_31 = tpu.sem_alloc : memref<!tpu.dma_semaphore, #tpu.memory_space<semaphore_mem>>
      %dma_start3A = arith.constant 0 : i32
      %dma_start3A_32 = tpu.memref_slice %arg5[%run_scoped3A_15, %dma_start3A] : memref<8x1024xf32, #tpu.memory_space<vmem>> -> memref<1x1024xf32, #tpu.memory_space<vmem>>
      %dma_start3A_33 = tpu.memref_squeeze %dma_start3A_32 : memref<1x1024xf32, #tpu.memory_space<vmem>> -> memref<1024xf32, #tpu.memory_space<vmem>>
      %dma_start3A_34 = tpu.memref_slice %arg2[%run_scoped3A_14, %mul3A_2] : memref<8x32768xf32, #tpu.memory_space<hbm>> -> memref<1x1024xf32, #tpu.memory_space<hbm>>
      %dma_start3A_35 = tpu.memref_squeeze %dma_start3A_34 : memref<1x1024xf32, #tpu.memory_space<hbm>> -> memref<1024xf32, #tpu.memory_space<hbm>>
      %dma_start3A_36 = arith.constant 0 : i32
      %dma_start3A_37 = tpu.memref_slice %arg5[%run_scoped3A_15, %dma_start3A_36] : memref<8x1024xf32, #tpu.memory_space<vmem>> -> memref<1x1024xf32, #tpu.memory_space<vmem>>
      %dma_start3A_38 = tpu.memref_squeeze %dma_start3A_37 : memref<1x1024xf32, #tpu.memory_space<vmem>> -> memref<1024xf32, #tpu.memory_space<vmem>>
      %dma_start3A_39 = tpu.memref_slice %arg2[%run_scoped3A_14, %mul3A_2] : memref<8x32768xf32, #tpu.memory_space<hbm>> -> memref<1x1024xf32, #tpu.memory_space<hbm>>
      %dma_start3A_40 = tpu.memref_squeeze %dma_start3A_39 : memref<1x1024xf32, #tpu.memory_space<hbm>> -> memref<1024xf32, #tpu.memory_space<hbm>>
      tpu.enqueue_dma source(%dma_start3A_40 : memref<1024xf32, #tpu.memory_space<hbm>>) target(%dma_start3A_38 : memref<1024xf32, #tpu.memory_space<vmem>>) target_semaphore(%run_scoped3A_31 : memref<!tpu.dma_semaphore, #tpu.memory_space<semaphore_mem>>)
      %dma_wait3A = arith.constant 0 : i32
      %dma_wait3A_41 = tpu.memref_slice %arg5[%run_scoped3A_15, %dma_wait3A] : memref<8x1024xf32, #tpu.memory_space<vmem>> -> memref<1x1024xf32, #tpu.memory_space<vmem>>
      %dma_wait3A_42 = tpu.memref_squeeze %dma_wait3A_41 : memref<1x1024xf32, #tpu.memory_space<vmem>> -> memref<1024xf32, #tpu.memory_space<vmem>>
      %dma_wait3A_43 = tpu.memref_slice %arg2[%run_scoped3A_14, %mul3A_2] : memref<8x32768xf32, #tpu.memory_space<hbm>> -> memref<1x1024xf32, #tpu.memory_space<hbm>>
      %dma_wait3A_44 = tpu.memref_squeeze %dma_wait3A_43 : memref<1x1024xf32, #tpu.memory_space<hbm>> -> memref<1024xf32, #tpu.memory_space<hbm>>
      %dma_wait3A_45 = arith.constant 0 : i32
      %dma_wait3A_46 = tpu.memref_slice %arg5[%run_scoped3A_15, %dma_wait3A_45] : memref<8x1024xf32, #tpu.memory_space<vmem>> -> memref<1x1024xf32, #tpu.memory_space<vmem>>
      %dma_wait3A_47 = tpu.memref_squeeze %dma_wait3A_46 : memref<1x1024xf32, #tpu.memory_space<vmem>> -> memref<1024xf32, #tpu.memory_space<vmem>>
      %dma_wait3A_48 = tpu.memref_slice %arg2[%run_scoped3A_14, %mul3A_2] : memref<8x32768xf32, #tpu.memory_space<hbm>> -> memref<1x1024xf32, #tpu.memory_space<hbm>>
      %dma_wait3A_49 = tpu.memref_squeeze %dma_wait3A_48 : memref<1x1024xf32, #tpu.memory_space<hbm>> -> memref<1024xf32, #tpu.memory_space<hbm>>
      tpu.wait_dma2 semaphore(%run_scoped3A_31 : memref<!tpu.dma_semaphore, #tpu.memory_space<semaphore_mem>>) src(%dma_wait3A_49 : memref<1024xf32, #tpu.memory_space<hbm>>) dst(%dma_wait3A_47 : memref<1024xf32, #tpu.memory_space<vmem>>)
      tpu.yield
    }) : () -> ()
    %run_scoped3A_16 = arith.constant 7 : i32
    %run_scoped3A_17 = arith.constant 7 : i32
    "tpu.region"() ({
      %run_scoped3A_31 = tpu.sem_alloc : memref<!tpu.dma_semaphore, #tpu.memory_space<semaphore_mem>>
      %dma_start3A = arith.constant 0 : i32
      %dma_start3A_32 = tpu.memref_slice %arg5[%run_scoped3A_17, %dma_start3A] : memref<8x1024xf32, #tpu.memory_space<vmem>> -> memref<1x1024xf32, #tpu.memory_space<vmem>>
      %dma_start3A_33 = tpu.memref_squeeze %dma_start3A_32 : memref<1x1024xf32, #tpu.memory_space<vmem>> -> memref<1024xf32, #tpu.memory_space<vmem>>
      %dma_start3A_34 = tpu.memref_slice %arg2[%run_scoped3A_16, %mul3A_2] : memref<8x32768xf32, #tpu.memory_space<hbm>> -> memref<1x1024xf32, #tpu.memory_space<hbm>>
      %dma_start3A_35 = tpu.memref_squeeze %dma_start3A_34 : memref<1x1024xf32, #tpu.memory_space<hbm>> -> memref<1024xf32, #tpu.memory_space<hbm>>
      %dma_start3A_36 = arith.constant 0 : i32
      %dma_start3A_37 = tpu.memref_slice %arg5[%run_scoped3A_17, %dma_start3A_36] : memref<8x1024xf32, #tpu.memory_space<vmem>> -> memref<1x1024xf32, #tpu.memory_space<vmem>>
      %dma_start3A_38 = tpu.memref_squeeze %dma_start3A_37 : memref<1x1024xf32, #tpu.memory_space<vmem>> -> memref<1024xf32, #tpu.memory_space<vmem>>
      %dma_start3A_39 = tpu.memref_slice %arg2[%run_scoped3A_16, %mul3A_2] : memref<8x32768xf32, #tpu.memory_space<hbm>> -> memref<1x1024xf32, #tpu.memory_space<hbm>>
      %dma_start3A_40 = tpu.memref_squeeze %dma_start3A_39 : memref<1x1024xf32, #tpu.memory_space<hbm>> -> memref<1024xf32, #tpu.memory_space<hbm>>
      tpu.enqueue_dma source(%dma_start3A_40 : memref<1024xf32, #tpu.memory_space<hbm>>) target(%dma_start3A_38 : memref<1024xf32, #tpu.memory_space<vmem>>) target_semaphore(%run_scoped3A_31 : memref<!tpu.dma_semaphore, #tpu.memory_space<semaphore_mem>>)
      %dma_wait3A = arith.constant 0 : i32
      %dma_wait3A_41 = tpu.memref_slice %arg5[%run_scoped3A_17, %dma_wait3A] : memref<8x1024xf32, #tpu.memory_space<vmem>> -> memref<1x1024xf32, #tpu.memory_space<vmem>>
      %dma_wait3A_42 = tpu.memref_squeeze %dma_wait3A_41 : memref<1x1024xf32, #tpu.memory_space<vmem>> -> memref<1024xf32, #tpu.memory_space<vmem>>
      %dma_wait3A_43 = tpu.memref_slice %arg2[%run_scoped3A_16, %mul3A_2] : memref<8x32768xf32, #tpu.memory_space<hbm>> -> memref<1x1024xf32, #tpu.memory_space<hbm>>
      %dma_wait3A_44 = tpu.memref_squeeze %dma_wait3A_43 : memref<1x1024xf32, #tpu.memory_space<hbm>> -> memref<1024xf32, #tpu.memory_space<hbm>>
      %dma_wait3A_45 = arith.constant 0 : i32
      %dma_wait3A_46 = tpu.memref_slice %arg5[%run_scoped3A_17, %dma_wait3A_45] : memref<8x1024xf32, #tpu.memory_space<vmem>> -> memref<1x1024xf32, #tpu.memory_space<vmem>>
      %dma_wait3A_47 = tpu.memref_squeeze %dma_wait3A_46 : memref<1x1024xf32, #tpu.memory_space<vmem>> -> memref<1024xf32, #tpu.memory_space<vmem>>
      %dma_wait3A_48 = tpu.memref_slice %arg2[%run_scoped3A_16, %mul3A_2] : memref<8x32768xf32, #tpu.memory_space<hbm>> -> memref<1x1024xf32, #tpu.memory_space<hbm>>
      %dma_wait3A_49 = tpu.memref_squeeze %dma_wait3A_48 : memref<1x1024xf32, #tpu.memory_space<hbm>> -> memref<1024xf32, #tpu.memory_space<hbm>>
      tpu.wait_dma2 semaphore(%run_scoped3A_31 : memref<!tpu.dma_semaphore, #tpu.memory_space<semaphore_mem>>) src(%dma_wait3A_49 : memref<1024xf32, #tpu.memory_space<hbm>>) dst(%dma_wait3A_47 : memref<1024xf32, #tpu.memory_space<vmem>>)
      tpu.yield
    }) : () -> ()
    %scan3A = arith.constant 0 : i32
    %scan3A_18 = arith.constant 0 : i32
    %scan3A_19 = arith.constant 64 : i32
    %scan3A_20 = arith.addi %scan3A_18, %scan3A_19 : i32
    %scan3A_21 = arith.constant 1 : i32
    scf.for %scan3A_31 = %scan3A_18 to %scan3A_20 step %scan3A_21  : i32 {
      %mul3A_32 = arith.constant 16 : i32
      %mul3A_33 = arith.muli %scan3A_31, %mul3A_32 : i32
      %get3A = arith.constant 0 : i32
      %get3A_34 = arith.index_cast %get3A : i32 to index
      %get3A_35 = arith.index_cast %mul3A_33 : i32 to index
      %get3A_36 = tpu.vector_load %arg5[%get3A_34, %get3A_35] {strides = array<i32>} : memref<8x1024xf32, #tpu.memory_space<vmem>>, vector<1x16xf32>,
      %get3A_37 = vector.shape_cast %get3A_36 : vector<1x16xf32> to vector<16xf32>
      %mul3A_38 = arith.constant 16 : i32
      %mul3A_39 = arith.muli %scan3A_31, %mul3A_38 : i32
      %get3A_40 = arith.constant 1 : i32
      %get3A_41 = arith.index_cast %get3A_40 : i32 to index
      %get3A_42 = arith.index_cast %mul3A_39 : i32 to index
      %get3A_43 = tpu.vector_load %arg5[%get3A_41, %get3A_42] {strides = array<i32>} : memref<8x1024xf32, #tpu.memory_space<vmem>>, vector<1x16xf32>,
      %get3A_44 = vector.shape_cast %get3A_43 : vector<1x16xf32> to vector<16xf32>
      %mul3A_45 = arith.constant 16 : i32
      %mul3A_46 = arith.muli %scan3A_31, %mul3A_45 : i32
      %get3A_47 = arith.constant 2 : i32
      %get3A_48 = arith.index_cast %get3A_47 : i32 to index
      %get3A_49 = arith.index_cast %mul3A_46 : i32 to index
      %get3A_50 = tpu.vector_load %arg5[%get3A_48, %get3A_49] {strides = array<i32>} : memref<8x1024xf32, #tpu.memory_space<vmem>>, vector<1x16xf32>,
      %get3A_51 = vector.shape_cast %get3A_50 : vector<1x16xf32> to vector<16xf32>
      %mul3A_52 = arith.constant 16 : i32
      %mul3A_53 = arith.muli %scan3A_31, %mul3A_52 : i32
      %get3A_54 = arith.constant 3 : i32
      %get3A_55 = arith.index_cast %get3A_54 : i32 to index
      %get3A_56 = arith.index_cast %mul3A_53 : i32 to index
      %get3A_57 = tpu.vector_load %arg5[%get3A_55, %get3A_56] {strides = array<i32>} : memref<8x1024xf32, #tpu.memory_space<vmem>>, vector<1x16xf32>,
      %get3A_58 = vector.shape_cast %get3A_57 : vector<1x16xf32> to vector<16xf32>
      %mul3A_59 = arith.constant 16 : i32
      %mul3A_60 = arith.muli %scan3A_31, %mul3A_59 : i32
      %get3A_61 = arith.constant 4 : i32
      %get3A_62 = arith.index_cast %get3A_61 : i32 to index
      %get3A_63 = arith.index_cast %mul3A_60 : i32 to index
      %get3A_64 = tpu.vector_load %arg5[%get3A_62, %get3A_63] {strides = array<i32>} : memref<8x1024xf32, #tpu.memory_space<vmem>>, vector<1x16xf32>,
      %get3A_65 = vector.shape_cast %get3A_64 : vector<1x16xf32> to vector<16xf32>
      %mul3A_66 = arith.constant 16 : i32
      %mul3A_67 = arith.muli %scan3A_31, %mul3A_66 : i32
      %get3A_68 = arith.constant 5 : i32
      %get3A_69 = arith.index_cast %get3A_68 : i32 to index
      %get3A_70 = arith.index_cast %mul3A_67 : i32 to index
      %get3A_71 = tpu.vector_load %arg5[%get3A_69, %get3A_70] {strides = array<i32>} : memref<8x1024xf32, #tpu.memory_space<vmem>>, vector<1x16xf32>,
      %get3A_72 = vector.shape_cast %get3A_71 : vector<1x16xf32> to vector<16xf32>
      %mul3A_73 = arith.constant 16 : i32
      %mul3A_74 = arith.muli %scan3A_31, %mul3A_73 : i32
      %get3A_75 = arith.constant 6 : i32
      %get3A_76 = arith.index_cast %get3A_75 : i32 to index
      %get3A_77 = arith.index_cast %mul3A_74 : i32 to index
      %get3A_78 = tpu.vector_load %arg5[%get3A_76, %get3A_77] {strides = array<i32>} : memref<8x1024xf32, #tpu.memory_space<vmem>>, vector<1x16xf32>,
      %get3A_79 = vector.shape_cast %get3A_78 : vector<1x16xf32> to vector<16xf32>
      %mul3A_80 = arith.constant 16 : i32
      %mul3A_81 = arith.muli %scan3A_31, %mul3A_80 : i32
      %get3A_82 = arith.constant 7 : i32
      %get3A_83 = arith.index_cast %get3A_82 : i32 to index
      %get3A_84 = arith.index_cast %mul3A_81 : i32 to index
      %get3A_85 = tpu.vector_load %arg5[%get3A_83, %get3A_84] {strides = array<i32>} : memref<8x1024xf32, #tpu.memory_space<vmem>>, vector<1x16xf32>,
      %get3A_86 = vector.shape_cast %get3A_85 : vector<1x16xf32> to vector<16xf32>
      %broadcast_in_dim3A = arith.constant 0 : i32
      %broadcast_in_dim3A_87 = vector.broadcast %broadcast_in_dim3A : i32 to vector<16xi32>
      %gt3A = arith.cmpf ogt, %get3A_44, %get3A_37 : vector<16xf32>
      %select_n3A = arith.select %gt3A, %get3A_44, %get3A_37 : vector<16xi1>, vector<16xf32>
      %jit3A = arith.constant 1 : i32
      %broadcast_in_dim3A_88 = vector.broadcast %jit3A : i32 to vector<16xi32>
      %select_n3A_89 = arith.select %gt3A, %broadcast_in_dim3A_88, %broadcast_in_dim3A_87 : vector<16xi1>, vector<16xi32>
      %gt3A_90 = arith.cmpf ogt, %get3A_51, %select_n3A : vector<16xf32>
      %select_n3A_91 = arith.select %gt3A_90, %get3A_51, %select_n3A : vector<16xi1>, vector<16xf32>
      %jit3A_92 = arith.constant 2 : i32
      %broadcast_in_dim3A_93 = vector.broadcast %jit3A_92 : i32 to vector<16xi32>
      %select_n3A_94 = arith.select %gt3A_90, %broadcast_in_dim3A_93, %select_n3A_89 : vector<16xi1>, vector<16xi32>
      %gt3A_95 = arith.cmpf ogt, %get3A_58, %select_n3A_91 : vector<16xf32>
      %select_n3A_96 = arith.select %gt3A_95, %get3A_58, %select_n3A_91 : vector<16xi1>, vector<16xf32>
      %jit3A_97 = arith.constant 3 : i32
      %broadcast_in_dim3A_98 = vector.broadcast %jit3A_97 : i32 to vector<16xi32>
      %select_n3A_99 = arith.select %gt3A_95, %broadcast_in_dim3A_98, %select_n3A_94 : vector<16xi1>, vector<16xi32>
      %gt3A_100 = arith.cmpf ogt, %get3A_65, %select_n3A_96 : vector<16xf32>
      %select_n3A_101 = arith.select %gt3A_100, %get3A_65, %select_n3A_96 : vector<16xi1>, vector<16xf32>
      %jit3A_102 = arith.constant 4 : i32
      %broadcast_in_dim3A_103 = vector.broadcast %jit3A_102 : i32 to vector<16xi32>
      %select_n3A_104 = arith.select %gt3A_100, %broadcast_in_dim3A_103, %select_n3A_99 : vector<16xi1>, vector<16xi32>
      %gt3A_105 = arith.cmpf ogt, %get3A_72, %select_n3A_101 : vector<16xf32>
      %select_n3A_106 = arith.select %gt3A_105, %get3A_72, %select_n3A_101 : vector<16xi1>, vector<16xf32>
      %jit3A_107 = arith.constant 5 : i32
      %broadcast_in_dim3A_108 = vector.broadcast %jit3A_107 : i32 to vector<16xi32>
      %select_n3A_109 = arith.select %gt3A_105, %broadcast_in_dim3A_108, %select_n3A_104 : vector<16xi1>, vector<16xi32>
      %gt3A_110 = arith.cmpf ogt, %get3A_79, %select_n3A_106 : vector<16xf32>
      %select_n3A_111 = arith.select %gt3A_110, %get3A_79, %select_n3A_106 : vector<16xi1>, vector<16xf32>
      %jit3A_112 = arith.constant 6 : i32
      %broadcast_in_dim3A_113 = vector.broadcast %jit3A_112 : i32 to vector<16xi32>
      %select_n3A_114 = arith.select %gt3A_110, %broadcast_in_dim3A_113, %select_n3A_109 : vector<16xi1>, vector<16xi32>
      %gt3A_115 = arith.cmpf ogt, %get3A_86, %select_n3A_111 : vector<16xf32>
      %select_n3A_116 = arith.select %gt3A_115, %get3A_86, %select_n3A_111 : vector<16xi1>, vector<16xf32>
      %jit3A_117 = arith.constant 7 : i32
      %broadcast_in_dim3A_118 = vector.broadcast %jit3A_117 : i32 to vector<16xi32>
      %select_n3A_119 = arith.select %gt3A_115, %broadcast_in_dim3A_118, %select_n3A_114 : vector<16xi1>, vector<16xi32>
      %broadcast_in_dim3A_120 = arith.constant 0xFF800000 : f32
      %broadcast_in_dim3A_121 = vector.broadcast %broadcast_in_dim3A_120 : f32 to vector<16xf32>
      %broadcast_in_dim3A_122 = arith.constant 8 : i32
      %broadcast_in_dim3A_123 = vector.broadcast %broadcast_in_dim3A_122 : i32 to vector<16xi32>
      %eq3A = arith.constant 0 : i32
      %eq3A_124 = vector.broadcast %eq3A : i32 to vector<16xi32>
      %eq3A_125 = arith.cmpi eq, %select_n3A_119, %eq3A_124 : vector<16xi32>
      %jit3A_126 = arith.constant 0xFF800000 : f32
      %broadcast_in_dim3A_127 = vector.broadcast %jit3A_126 : f32 to vector<16xf32>
      %select_n3A_128 = arith.select %eq3A_125, %broadcast_in_dim3A_127, %get3A_37 : vector<16xi1>, vector<16xf32>
      %gt3A_129 = arith.cmpf ogt, %select_n3A_128, %broadcast_in_dim3A_121 : vector<16xf32>
      %select_n3A_130 = arith.select %gt3A_129, %select_n3A_128, %broadcast_in_dim3A_121 : vector<16xi1>, vector<16xf32>
      %jit3A_131 = arith.constant 0 : i32
      %broadcast_in_dim3A_132 = vector.broadcast %jit3A_131 : i32 to vector<16xi32>
      %select_n3A_133 = arith.select %gt3A_129, %broadcast_in_dim3A_132, %broadcast_in_dim3A_123 : vector<16xi1>, vector<16xi32>
      %eq3A_134 = arith.constant 1 : i32
      %eq3A_135 = vector.broadcast %eq3A_134 : i32 to vector<16xi32>
      %eq3A_136 = arith.cmpi eq, %select_n3A_119, %eq3A_135 : vector<16xi32>
      %jit3A_137 = arith.constant 0xFF800000 : f32
      %broadcast_in_dim3A_138 = vector.broadcast %jit3A_137 : f32 to vector<16xf32>
      %select_n3A_139 = arith.select %eq3A_136, %broadcast_in_dim3A_138, %get3A_44 : vector<16xi1>, vector<16xf32>
      %gt3A_140 = arith.cmpf ogt, %select_n3A_139, %select_n3A_130 : vector<16xf32>
      %select_n3A_141 = arith.select %gt3A_140, %select_n3A_139, %select_n3A_130 : vector<16xi1>, vector<16xf32>
      %jit3A_142 = arith.constant 1 : i32
      %broadcast_in_dim3A_143 = vector.broadcast %jit3A_142 : i32 to vector<16xi32>
      %select_n3A_144 = arith.select %gt3A_140, %broadcast_in_dim3A_143, %select_n3A_133 : vector<16xi1>, vector<16xi32>
      %eq3A_145 = arith.constant 2 : i32
      %eq3A_146 = vector.broadcast %eq3A_145 : i32 to vector<16xi32>
      %eq3A_147 = arith.cmpi eq, %select_n3A_119, %eq3A_146 : vector<16xi32>
      %jit3A_148 = arith.constant 0xFF800000 : f32
      %broadcast_in_dim3A_149 = vector.broadcast %jit3A_148 : f32 to vector<16xf32>
      %select_n3A_150 = arith.select %eq3A_147, %broadcast_in_dim3A_149, %get3A_51 : vector<16xi1>, vector<16xf32>
      %gt3A_151 = arith.cmpf ogt, %select_n3A_150, %select_n3A_141 : vector<16xf32>
      %select_n3A_152 = arith.select %gt3A_151, %select_n3A_150, %select_n3A_141 : vector<16xi1>, vector<16xf32>
      %jit3A_153 = arith.constant 2 : i32
      %broadcast_in_dim3A_154 = vector.broadcast %jit3A_153 : i32 to vector<16xi32>
      %select_n3A_155 = arith.select %gt3A_151, %broadcast_in_dim3A_154, %select_n3A_144 : vector<16xi1>, vector<16xi32>
      %eq3A_156 = arith.constant 3 : i32
      %eq3A_157 = vector.broadcast %eq3A_156 : i32 to vector<16xi32>
      %eq3A_158 = arith.cmpi eq, %select_n3A_119, %eq3A_157 : vector<16xi32>
      %jit3A_159 = arith.constant 0xFF800000 : f32
      %broadcast_in_dim3A_160 = vector.broadcast %jit3A_159 : f32 to vector<16xf32>
      %select_n3A_161 = arith.select %eq3A_158, %broadcast_in_dim3A_160, %get3A_58 : vector<16xi1>, vector<16xf32>
      %gt3A_162 = arith.cmpf ogt, %select_n3A_161, %select_n3A_152 : vector<16xf32>
      %select_n3A_163 = arith.select %gt3A_162, %select_n3A_161, %select_n3A_152 : vector<16xi1>, vector<16xf32>
      %jit3A_164 = arith.constant 3 : i32
      %broadcast_in_dim3A_165 = vector.broadcast %jit3A_164 : i32 to vector<16xi32>
      %select_n3A_166 = arith.select %gt3A_162, %broadcast_in_dim3A_165, %select_n3A_155 : vector<16xi1>, vector<16xi32>
      %eq3A_167 = arith.constant 4 : i32
      %eq3A_168 = vector.broadcast %eq3A_167 : i32 to vector<16xi32>
      %eq3A_169 = arith.cmpi eq, %select_n3A_119, %eq3A_168 : vector<16xi32>
      %jit3A_170 = arith.constant 0xFF800000 : f32
      %broadcast_in_dim3A_171 = vector.broadcast %jit3A_170 : f32 to vector<16xf32>
      %select_n3A_172 = arith.select %eq3A_169, %broadcast_in_dim3A_171, %get3A_65 : vector<16xi1>, vector<16xf32>
      %gt3A_173 = arith.cmpf ogt, %select_n3A_172, %select_n3A_163 : vector<16xf32>
      %select_n3A_174 = arith.select %gt3A_173, %select_n3A_172, %select_n3A_163 : vector<16xi1>, vector<16xf32>
      %jit3A_175 = arith.constant 4 : i32
      %broadcast_in_dim3A_176 = vector.broadcast %jit3A_175 : i32 to vector<16xi32>
      %select_n3A_177 = arith.select %gt3A_173, %broadcast_in_dim3A_176, %select_n3A_166 : vector<16xi1>, vector<16xi32>
      %eq3A_178 = arith.constant 5 : i32
      %eq3A_179 = vector.broadcast %eq3A_178 : i32 to vector<16xi32>
      %eq3A_180 = arith.cmpi eq, %select_n3A_119, %eq3A_179 : vector<16xi32>
      %jit3A_181 = arith.constant 0xFF800000 : f32
      %broadcast_in_dim3A_182 = vector.broadcast %jit3A_181 : f32 to vector<16xf32>
      %select_n3A_183 = arith.select %eq3A_180, %broadcast_in_dim3A_182, %get3A_72 : vector<16xi1>, vector<16xf32>
      %gt3A_184 = arith.cmpf ogt, %select_n3A_183, %select_n3A_174 : vector<16xf32>
      %select_n3A_185 = arith.select %gt3A_184, %select_n3A_183, %select_n3A_174 : vector<16xi1>, vector<16xf32>
      %jit3A_186 = arith.constant 5 : i32
      %broadcast_in_dim3A_187 = vector.broadcast %jit3A_186 : i32 to vector<16xi32>
      %select_n3A_188 = arith.select %gt3A_184, %broadcast_in_dim3A_187, %select_n3A_177 : vector<16xi1>, vector<16xi32>
      %eq3A_189 = arith.constant 6 : i32
      %eq3A_190 = vector.broadcast %eq3A_189 : i32 to vector<16xi32>
      %eq3A_191 = arith.cmpi eq, %select_n3A_119, %eq3A_190 : vector<16xi32>
      %jit3A_192 = arith.constant 0xFF800000 : f32
      %broadcast_in_dim3A_193 = vector.broadcast %jit3A_192 : f32 to vector<16xf32>
      %select_n3A_194 = arith.select %eq3A_191, %broadcast_in_dim3A_193, %get3A_79 : vector<16xi1>, vector<16xf32>
      %gt3A_195 = arith.cmpf ogt, %select_n3A_194, %select_n3A_185 : vector<16xf32>
      %select_n3A_196 = arith.select %gt3A_195, %select_n3A_194, %select_n3A_185 : vector<16xi1>, vector<16xf32>
      %jit3A_197 = arith.constant 6 : i32
      %broadcast_in_dim3A_198 = vector.broadcast %jit3A_197 : i32 to vector<16xi32>
      %select_n3A_199 = arith.select %gt3A_195, %broadcast_in_dim3A_198, %select_n3A_188 : vector<16xi1>, vector<16xi32>
      %eq3A_200 = arith.constant 7 : i32
      %eq3A_201 = vector.broadcast %eq3A_200 : i32 to vector<16xi32>
      %eq3A_202 = arith.cmpi eq, %select_n3A_119, %eq3A_201 : vector<16xi32>
      %jit3A_203 = arith.constant 0xFF800000 : f32
      %broadcast_in_dim3A_204 = vector.broadcast %jit3A_203 : f32 to vector<16xf32>
      %select_n3A_205 = arith.select %eq3A_202, %broadcast_in_dim3A_204, %get3A_86 : vector<16xi1>, vector<16xf32>
      %gt3A_206 = arith.cmpf ogt, %select_n3A_205, %select_n3A_196 : vector<16xf32>
      %select_n3A_207 = arith.select %gt3A_206, %select_n3A_205, %select_n3A_196 : vector<16xi1>, vector<16xf32>
      %jit3A_208 = arith.constant 7 : i32
      %broadcast_in_dim3A_209 = vector.broadcast %jit3A_208 : i32 to vector<16xi32>
      %select_n3A_210 = arith.select %gt3A_206, %broadcast_in_dim3A_209, %select_n3A_199 : vector<16xi1>, vector<16xi32>
      %neg3A = arith.constant 0.000000e+00 : f32
      %neg3A_211 = vector.broadcast %neg3A : f32 to vector<16xf32>
      %neg3A_212 = arith.subf %neg3A_211, %select_n3A_116 : vector<16xf32>
      %exp3A = math.exp %neg3A_212 : vector<16xf32>
      %add3A_213 = arith.constant 1.000000e+00 : f32
      %add3A_214 = vector.broadcast %add3A_213 : f32 to vector<16xf32>
      %add3A_215 = arith.addf %add3A_214, %exp3A : vector<16xf32>
      %div3A = arith.constant 1.000000e+00 : f32
      %div3A_216 = vector.broadcast %div3A : f32 to vector<16xf32>
      %div3A_217 = arith.divf %div3A_216, %add3A_215 : vector<16xf32>
      %neg3A_218 = arith.constant 0.000000e+00 : f32
      %neg3A_219 = vector.broadcast %neg3A_218 : f32 to vector<16xf32>
      %neg3A_220 = arith.subf %neg3A_219, %select_n3A_207 : vector<16xf32>
      %exp3A_221 = math.exp %neg3A_220 : vector<16xf32>
      %add3A_222 = arith.constant 1.000000e+00 : f32
      %add3A_223 = vector.broadcast %add3A_222 : f32 to vector<16xf32>
      %add3A_224 = arith.addf %add3A_223, %exp3A_221 : vector<16xf32>
      %div3A_225 = arith.constant 1.000000e+00 : f32
      %div3A_226 = vector.broadcast %div3A_225 : f32 to vector<16xf32>
      %div3A_227 = arith.divf %div3A_226, %add3A_224 : vector<16xf32>
      %mul3A_228 = arith.constant 16 : i32
      %mul3A_229 = arith.muli %scan3A_31, %mul3A_228 : i32
      %swap3A = arith.constant 0 : i32
      %swap3A_230 = arith.index_cast %swap3A : i32 to index
      %swap3A_231 = arith.index_cast %mul3A_229 : i32 to index
      %swap3A_232 = tpu.vector_load %arg6[%swap3A_230, %swap3A_231] {strides = array<i32>} : memref<2x1024xf32, #tpu.memory_space<vmem>>, vector<1x16xf32>,
      %swap3A_233 = vector.shape_cast %swap3A_232 : vector<1x16xf32> to vector<16xf32>
      %swap3A_234 = vector.shape_cast %div3A_217 : vector<16xf32> to vector<1x16xf32>
      tpu.vector_store %arg6[%swap3A_230, %swap3A_231], %swap3A_234 {strides = array<i32>} : memref<2x1024xf32, #tpu.memory_space<vmem>>, vector<1x16xf32>,
      %swap3A_235 = arith.constant 1 : i32
      %swap3A_236 = arith.index_cast %swap3A_235 : i32 to index
      %swap3A_237 = arith.index_cast %mul3A_229 : i32 to index
      %swap3A_238 = tpu.vector_load %arg6[%swap3A_236, %swap3A_237] {strides = array<i32>} : memref<2x1024xf32, #tpu.memory_space<vmem>>, vector<1x16xf32>,
      %swap3A_239 = vector.shape_cast %swap3A_238 : vector<1x16xf32> to vector<16xf32>
      %swap3A_240 = vector.shape_cast %div3A_227 : vector<16xf32> to vector<1x16xf32>
      tpu.vector_store %arg6[%swap3A_236, %swap3A_237], %swap3A_240 {strides = array<i32>} : memref<2x1024xf32, #tpu.memory_space<vmem>>, vector<1x16xf32>,
      %swap3A_241 = arith.constant 0 : i32
      %swap3A_242 = arith.index_cast %swap3A_241 : i32 to index
      %swap3A_243 = arith.index_cast %mul3A_229 : i32 to index
      %swap3A_244 = tpu.vector_load %arg7[%swap3A_242, %swap3A_243] {strides = array<i32>} : memref<2x1024xi32, #tpu.memory_space<vmem>>, vector<1x16xi32>,
      %swap3A_245 = vector.shape_cast %swap3A_244 : vector<1x16xi32> to vector<16xi32>
      %swap3A_246 = vector.shape_cast %select_n3A_119 : vector<16xi32> to vector<1x16xi32>
      tpu.vector_store %arg7[%swap3A_242, %swap3A_243], %swap3A_246 {strides = array<i32>} : memref<2x1024xi32, #tpu.memory_space<vmem>>, vector<1x16xi32>,
      %swap3A_247 = arith.constant 1 : i32
      %swap3A_248 = arith.index_cast %swap3A_247 : i32 to index
      %swap3A_249 = arith.index_cast %mul3A_229 : i32 to index
      %swap3A_250 = tpu.vector_load %arg7[%swap3A_248, %swap3A_249] {strides = array<i32>} : memref<2x1024xi32, #tpu.memory_space<vmem>>, vector<1x16xi32>,
      %swap3A_251 = vector.shape_cast %swap3A_250 : vector<1x16xi32> to vector<16xi32>
      %swap3A_252 = vector.shape_cast %select_n3A_210 : vector<16xi32> to vector<1x16xi32>
      tpu.vector_store %arg7[%swap3A_248, %swap3A_249], %swap3A_252 {strides = array<i32>} : memref<2x1024xi32, #tpu.memory_space<vmem>>, vector<1x16xi32>,
    }
    %scan3A_22 = arith.constant 64 : i32
    %run_scoped3A_23 = arith.constant 0 : i32
    %run_scoped3A_24 = arith.constant 0 : i32
    "tpu.region"() ({
      %run_scoped3A_31 = tpu.sem_alloc : memref<!tpu.dma_semaphore, #tpu.memory_space<semaphore_mem>>
      %dma_start3A = arith.constant 0 : i32
      %dma_start3A_32 = tpu.memref_slice %arg6[%run_scoped3A_23, %dma_start3A] : memref<2x1024xf32, #tpu.memory_space<vmem>> -> memref<1x1024xf32, #tpu.memory_space<vmem>>
      %dma_start3A_33 = tpu.memref_squeeze %dma_start3A_32 : memref<1x1024xf32, #tpu.memory_space<vmem>> -> memref<1024xf32, #tpu.memory_space<vmem>>
      %dma_start3A_34 = tpu.memref_slice %arg3[%run_scoped3A_24, %mul3A_2] : memref<2x32768xf32, #tpu.memory_space<hbm>> -> memref<1x1024xf32, #tpu.memory_space<hbm>>
      %dma_start3A_35 = tpu.memref_squeeze %dma_start3A_34 : memref<1x1024xf32, #tpu.memory_space<hbm>> -> memref<1024xf32, #tpu.memory_space<hbm>>
      %dma_start3A_36 = tpu.memref_slice %arg3[%run_scoped3A_24, %mul3A_2] : memref<2x32768xf32, #tpu.memory_space<hbm>> -> memref<1x1024xf32, #tpu.memory_space<hbm>>
      %dma_start3A_37 = tpu.memref_squeeze %dma_start3A_36 : memref<1x1024xf32, #tpu.memory_space<hbm>> -> memref<1024xf32, #tpu.memory_space<hbm>>
      %dma_start3A_38 = arith.constant 0 : i32
      %dma_start3A_39 = tpu.memref_slice %arg6[%run_scoped3A_23, %dma_start3A_38] : memref<2x1024xf32, #tpu.memory_space<vmem>> -> memref<1x1024xf32, #tpu.memory_space<vmem>>
      %dma_start3A_40 = tpu.memref_squeeze %dma_start3A_39 : memref<1x1024xf32, #tpu.memory_space<vmem>> -> memref<1024xf32, #tpu.memory_space<vmem>>
      tpu.enqueue_dma source(%dma_start3A_40 : memref<1024xf32, #tpu.memory_space<vmem>>) target(%dma_start3A_37 : memref<1024xf32, #tpu.memory_space<hbm>>) target_semaphore(%run_scoped3A_31 : memref<!tpu.dma_semaphore, #tpu.memory_space<semaphore_mem>>)
      %dma_wait3A = arith.constant 0 : i32
      %dma_wait3A_41 = tpu.memref_slice %arg6[%run_scoped3A_23, %dma_wait3A] : memref<2x1024xf32, #tpu.memory_space<vmem>> -> memref<1x1024xf32, #tpu.memory_space<vmem>>
      %dma_wait3A_42 = tpu.memref_squeeze %dma_wait3A_41 : memref<1x1024xf32, #tpu.memory_space<vmem>> -> memref<1024xf32, #tpu.memory_space<vmem>>
      %dma_wait3A_43 = tpu.memref_slice %arg3[%run_scoped3A_24, %mul3A_2] : memref<2x32768xf32, #tpu.memory_space<hbm>> -> memref<1x1024xf32, #tpu.memory_space<hbm>>
      %dma_wait3A_44 = tpu.memref_squeeze %dma_wait3A_43 : memref<1x1024xf32, #tpu.memory_space<hbm>> -> memref<1024xf32, #tpu.memory_space<hbm>>
      %dma_wait3A_45 = tpu.memref_slice %arg3[%run_scoped3A_24, %mul3A_2] : memref<2x32768xf32, #tpu.memory_space<hbm>> -> memref<1x1024xf32, #tpu.memory_space<hbm>>
      %dma_wait3A_46 = tpu.memref_squeeze %dma_wait3A_45 : memref<1x1024xf32, #tpu.memory_space<hbm>> -> memref<1024xf32, #tpu.memory_space<hbm>>
      %dma_wait3A_47 = arith.constant 0 : i32
      %dma_wait3A_48 = tpu.memref_slice %arg6[%run_scoped3A_23, %dma_wait3A_47] : memref<2x1024xf32, #tpu.memory_space<vmem>> -> memref<1x1024xf32, #tpu.memory_space<vmem>>
      %dma_wait3A_49 = tpu.memref_squeeze %dma_wait3A_48 : memref<1x1024xf32, #tpu.memory_space<vmem>> -> memref<1024xf32, #tpu.memory_space<vmem>>
      tpu.wait_dma2 semaphore(%run_scoped3A_31 : memref<!tpu.dma_semaphore, #tpu.memory_space<semaphore_mem>>) src(%dma_wait3A_49 : memref<1024xf32, #tpu.memory_space<vmem>>) dst(%dma_wait3A_46 : memref<1024xf32, #tpu.memory_space<hbm>>)
      tpu.yield
    }) : () -> ()
    %run_scoped3A_25 = arith.constant 0 : i32
    %run_scoped3A_26 = arith.constant 0 : i32
    "tpu.region"() ({
      %run_scoped3A_31 = tpu.sem_alloc : memref<!tpu.dma_semaphore, #tpu.memory_space<semaphore_mem>>
      %dma_start3A = arith.constant 0 : i32
      %dma_start3A_32 = tpu.memref_slice %arg7[%run_scoped3A_25, %dma_start3A] : memref<2x1024xi32, #tpu.memory_space<vmem>> -> memref<1x1024xi32, #tpu.memory_space<vmem>>
      %dma_start3A_33 = tpu.memref_squeeze %dma_start3A_32 : memref<1x1024xi32, #tpu.memory_space<vmem>> -> memref<1024xi32, #tpu.memory_space<vmem>>
      %dma_start3A_34 = tpu.memref_slice %arg4[%run_scoped3A_26, %mul3A_2] : memref<2x32768xi32, #tpu.memory_space<hbm>> -> memref<1x1024xi32, #tpu.memory_space<hbm>>
      %dma_start3A_35 = tpu.memref_squeeze %dma_start3A_34 : memref<1x1024xi32, #tpu.memory_space<hbm>> -> memref<1024xi32, #tpu.memory_space<hbm>>
      %dma_start3A_36 = tpu.memref_slice %arg4[%run_scoped3A_26, %mul3A_2] : memref<2x32768xi32, #tpu.memory_space<hbm>> -> memref<1x1024xi32, #tpu.memory_space<hbm>>
      %dma_start3A_37 = tpu.memref_squeeze %dma_start3A_36 : memref<1x1024xi32, #tpu.memory_space<hbm>> -> memref<1024xi32, #tpu.memory_space<hbm>>
      %dma_start3A_38 = arith.constant 0 : i32
      %dma_start3A_39 = tpu.memref_slice %arg7[%run_scoped3A_25, %dma_start3A_38] : memref<2x1024xi32, #tpu.memory_space<vmem>> -> memref<1x1024xi32, #tpu.memory_space<vmem>>
      %dma_start3A_40 = tpu.memref_squeeze %dma_start3A_39 : memref<1x1024xi32, #tpu.memory_space<vmem>> -> memref<1024xi32, #tpu.memory_space<vmem>>
      tpu.enqueue_dma source(%dma_start3A_40 : memref<1024xi32, #tpu.memory_space<vmem>>) target(%dma_start3A_37 : memref<1024xi32, #tpu.memory_space<hbm>>) target_semaphore(%run_scoped3A_31 : memref<!tpu.dma_semaphore, #tpu.memory_space<semaphore_mem>>)
      %dma_wait3A = arith.constant 0 : i32
      %dma_wait3A_41 = tpu.memref_slice %arg7[%run_scoped3A_25, %dma_wait3A] : memref<2x1024xi32, #tpu.memory_space<vmem>> -> memref<1x1024xi32, #tpu.memory_space<vmem>>
      %dma_wait3A_42 = tpu.memref_squeeze %dma_wait3A_41 : memref<1x1024xi32, #tpu.memory_space<vmem>> -> memref<1024xi32, #tpu.memory_space<vmem>>
      %dma_wait3A_43 = tpu.memref_slice %arg4[%run_scoped3A_26, %mul3A_2] : memref<2x32768xi32, #tpu.memory_space<hbm>> -> memref<1x1024xi32, #tpu.memory_space<hbm>>
      %dma_wait3A_44 = tpu.memref_squeeze %dma_wait3A_43 : memref<1x1024xi32, #tpu.memory_space<hbm>> -> memref<1024xi32, #tpu.memory_space<hbm>>
      %dma_wait3A_45 = tpu.memref_slice %arg4[%run_scoped3A_26, %mul3A_2] : memref<2x32768xi32, #tpu.memory_space<hbm>> -> memref<1x1024xi32, #tpu.memory_space<hbm>>
      %dma_wait3A_46 = tpu.memref_squeeze %dma_wait3A_45 : memref<1x1024xi32, #tpu.memory_space<hbm>> -> memref<1024xi32, #tpu.memory_space<hbm>>
      %dma_wait3A_47 = arith.constant 0 : i32
      %dma_wait3A_48 = tpu.memref_slice %arg7[%run_scoped3A_25, %dma_wait3A_47] : memref<2x1024xi32, #tpu.memory_space<vmem>> -> memref<1x1024xi32, #tpu.memory_space<vmem>>
      %dma_wait3A_49 = tpu.memref_squeeze %dma_wait3A_48 : memref<1x1024xi32, #tpu.memory_space<vmem>> -> memref<1024xi32, #tpu.memory_space<vmem>>
      tpu.wait_dma2 semaphore(%run_scoped3A_31 : memref<!tpu.dma_semaphore, #tpu.memory_space<semaphore_mem>>) src(%dma_wait3A_49 : memref<1024xi32, #tpu.memory_space<vmem>>) dst(%dma_wait3A_46 : memref<1024xi32, #tpu.memory_space<hbm>>)
      tpu.yield
    }) : () -> ()
    %run_scoped3A_27 = arith.constant 1 : i32
    %run_scoped3A_28 = arith.constant 1 : i32
    "tpu.region"() ({
      %run_scoped3A_31 = tpu.sem_alloc : memref<!tpu.dma_semaphore, #tpu.memory_space<semaphore_mem>>
      %dma_start3A = arith.constant 0 : i32
      %dma_start3A_32 = tpu.memref_slice %arg6[%run_scoped3A_27, %dma_start3A] : memref<2x1024xf32, #tpu.memory_space<vmem>> -> memref<1x1024xf32, #tpu.memory_space<vmem>>
      %dma_start3A_33 = tpu.memref_squeeze %dma_start3A_32 : memref<1x1024xf32, #tpu.memory_space<vmem>> -> memref<1024xf32, #tpu.memory_space<vmem>>
      %dma_start3A_34 = tpu.memref_slice %arg3[%run_scoped3A_28, %mul3A_2] : memref<2x32768xf32, #tpu.memory_space<hbm>> -> memref<1x1024xf32, #tpu.memory_space<hbm>>
      %dma_start3A_35 = tpu.memref_squeeze %dma_start3A_34 : memref<1x1024xf32, #tpu.memory_space<hbm>> -> memref<1024xf32, #tpu.memory_space<hbm>>
      %dma_start3A_36 = tpu.memref_slice %arg3[%run_scoped3A_28, %mul3A_2] : memref<2x32768xf32, #tpu.memory_space<hbm>> -> memref<1x1024xf32, #tpu.memory_space<hbm>>
      %dma_start3A_37 = tpu.memref_squeeze %dma_start3A_36 : memref<1x1024xf32, #tpu.memory_space<hbm>> -> memref<1024xf32, #tpu.memory_space<hbm>>
      %dma_start3A_38 = arith.constant 0 : i32
      %dma_start3A_39 = tpu.memref_slice %arg6[%run_scoped3A_27, %dma_start3A_38] : memref<2x1024xf32, #tpu.memory_space<vmem>> -> memref<1x1024xf32, #tpu.memory_space<vmem>>
      %dma_start3A_40 = tpu.memref_squeeze %dma_start3A_39 : memref<1x1024xf32, #tpu.memory_space<vmem>> -> memref<1024xf32, #tpu.memory_space<vmem>>
      tpu.enqueue_dma source(%dma_start3A_40 : memref<1024xf32, #tpu.memory_space<vmem>>) target(%dma_start3A_37 : memref<1024xf32, #tpu.memory_space<hbm>>) target_semaphore(%run_scoped3A_31 : memref<!tpu.dma_semaphore, #tpu.memory_space<semaphore_mem>>)
      %dma_wait3A = arith.constant 0 : i32
      %dma_wait3A_41 = tpu.memref_slice %arg6[%run_scoped3A_27, %dma_wait3A] : memref<2x1024xf32, #tpu.memory_space<vmem>> -> memref<1x1024xf32, #tpu.memory_space<vmem>>
      %dma_wait3A_42 = tpu.memref_squeeze %dma_wait3A_41 : memref<1x1024xf32, #tpu.memory_space<vmem>> -> memref<1024xf32, #tpu.memory_space<vmem>>
      %dma_wait3A_43 = tpu.memref_slice %arg3[%run_scoped3A_28, %mul3A_2] : memref<2x32768xf32, #tpu.memory_space<hbm>> -> memref<1x1024xf32, #tpu.memory_space<hbm>>
      %dma_wait3A_44 = tpu.memref_squeeze %dma_wait3A_43 : memref<1x1024xf32, #tpu.memory_space<hbm>> -> memref<1024xf32, #tpu.memory_space<hbm>>
      %dma_wait3A_45 = tpu.memref_slice %arg3[%run_scoped3A_28, %mul3A_2] : memref<2x32768xf32, #tpu.memory_space<hbm>> -> memref<1x1024xf32, #tpu.memory_space<hbm>>
      %dma_wait3A_46 = tpu.memref_squeeze %dma_wait3A_45 : memref<1x1024xf32, #tpu.memory_space<hbm>> -> memref<1024xf32, #tpu.memory_space<hbm>>
      %dma_wait3A_47 = arith.constant 0 : i32
      %dma_wait3A_48 = tpu.memref_slice %arg6[%run_scoped3A_27, %dma_wait3A_47] : memref<2x1024xf32, #tpu.memory_space<vmem>> -> memref<1x1024xf32, #tpu.memory_space<vmem>>
      %dma_wait3A_49 = tpu.memref_squeeze %dma_wait3A_48 : memref<1x1024xf32, #tpu.memory_space<vmem>> -> memref<1024xf32, #tpu.memory_space<vmem>>
      tpu.wait_dma2 semaphore(%run_scoped3A_31 : memref<!tpu.dma_semaphore, #tpu.memory_space<semaphore_mem>>) src(%dma_wait3A_49 : memref<1024xf32, #tpu.memory_space<vmem>>) dst(%dma_wait3A_46 : memref<1024xf32, #tpu.memory_space<hbm>>)
      tpu.yield
    }) : () -> ()
    %run_scoped3A_29 = arith.constant 1 : i32
    %run_scoped3A_30 = arith.constant 1 : i32
    "tpu.region"() ({
      %run_scoped3A_31 = tpu.sem_alloc : memref<!tpu.dma_semaphore, #tpu.memory_space<semaphore_mem>>
      %dma_start3A = arith.constant 0 : i32
      %dma_start3A_32 = tpu.memref_slice %arg7[%run_scoped3A_29, %dma_start3A] : memref<2x1024xi32, #tpu.memory_space<vmem>> -> memref<1x1024xi32, #tpu.memory_space<vmem>>
      %dma_start3A_33 = tpu.memref_squeeze %dma_start3A_32 : memref<1x1024xi32, #tpu.memory_space<vmem>> -> memref<1024xi32, #tpu.memory_space<vmem>>
      %dma_start3A_34 = tpu.memref_slice %arg4[%run_scoped3A_30, %mul3A_2] : memref<2x32768xi32, #tpu.memory_space<hbm>> -> memref<1x1024xi32, #tpu.memory_space<hbm>>
      %dma_start3A_35 = tpu.memref_squeeze %dma_start3A_34 : memref<1x1024xi32, #tpu.memory_space<hbm>> -> memref<1024xi32, #tpu.memory_space<hbm>>
      %dma_start3A_36 = tpu.memref_slice %arg4[%run_scoped3A_30, %mul3A_2] : memref<2x32768xi32, #tpu.memory_space<hbm>> -> memref<1x1024xi32, #tpu.memory_space<hbm>>
      %dma_start3A_37 = tpu.memref_squeeze %dma_start3A_36 : memref<1x1024xi32, #tpu.memory_space<hbm>> -> memref<1024xi32, #tpu.memory_space<hbm>>
      %dma_start3A_38 = arith.constant 0 : i32
      %dma_start3A_39 = tpu.memref_slice %arg7[%run_scoped3A_29, %dma_start3A_38] : memref<2x1024xi32, #tpu.memory_space<vmem>> -> memref<1x1024xi32, #tpu.memory_space<vmem>>
      %dma_start3A_40 = tpu.memref_squeeze %dma_start3A_39 : memref<1x1024xi32, #tpu.memory_space<vmem>> -> memref<1024xi32, #tpu.memory_space<vmem>>
      tpu.enqueue_dma source(%dma_start3A_40 : memref<1024xi32, #tpu.memory_space<vmem>>) target(%dma_start3A_37 : memref<1024xi32, #tpu.memory_space<hbm>>) target_semaphore(%run_scoped3A_31 : memref<!tpu.dma_semaphore, #tpu.memory_space<semaphore_mem>>)
      %dma_wait3A = arith.constant 0 : i32
      %dma_wait3A_41 = tpu.memref_slice %arg7[%run_scoped3A_29, %dma_wait3A] : memref<2x1024xi32, #tpu.memory_space<vmem>> -> memref<1x1024xi32, #tpu.memory_space<vmem>>
      %dma_wait3A_42 = tpu.memref_squeeze %dma_wait3A_41 : memref<1x1024xi32, #tpu.memory_space<vmem>> -> memref<1024xi32, #tpu.memory_space<vmem>>
      %dma_wait3A_43 = tpu.memref_slice %arg4[%run_scoped3A_30, %mul3A_2] : memref<2x32768xi32, #tpu.memory_space<hbm>> -> memref<1x1024xi32, #tpu.memory_space<hbm>>
      %dma_wait3A_44 = tpu.memref_squeeze %dma_wait3A_43 : memref<1x1024xi32, #tpu.memory_space<hbm>> -> memref<1024xi32, #tpu.memory_space<hbm>>
      %dma_wait3A_45 = tpu.memref_slice %arg4[%run_scoped3A_30, %mul3A_2] : memref<2x32768xi32, #tpu.memory_space<hbm>> -> memref<1x1024xi32, #tpu.memory_space<hbm>>
      %dma_wait3A_46 = tpu.memref_squeeze %dma_wait3A_45 : memref<1x1024xi32, #tpu.memory_space<hbm>> -> memref<1024xi32, #tpu.memory_space<hbm>>
      %dma_wait3A_47 = arith.constant 0 : i32
      %dma_wait3A_48 = tpu.memref_slice %arg7[%run_scoped3A_29, %dma_wait3A_47] : memref<2x1024xi32, #tpu.memory_space<vmem>> -> memref<1x1024xi32, #tpu.memory_space<vmem>>
      %dma_wait3A_49 = tpu.memref_squeeze %dma_wait3A_48 : memref<1x1024xi32, #tpu.memory_space<vmem>> -> memref<1024xi32, #tpu.memory_space<vmem>>
      tpu.wait_dma2 semaphore(%run_scoped3A_31 : memref<!tpu.dma_semaphore, #tpu.memory_space<semaphore_mem>>) src(%dma_wait3A_49 : memref<1024xi32, #tpu.memory_space<vmem>>) dst(%dma_wait3A_46 : memref<1024xi32, #tpu.memory_space<hbm>>)
      tpu.yield
    }) : () -> ()
    return
  }
}

module attributes {stable_mosaic.version = 14 : i64} {
  func.func @_tc_logits_block(%arg0: i32, %arg1: memref<2048x1024xf32, #tpu.memory_space<vmem>>, %arg2: memref<8x1024xf32, #tpu.memory_space<vmem>>, %arg3: memref<8x1xf32, #tpu.memory_space<vmem>>, %arg4: memref<8x2048xf32, #tpu.memory_space<vmem>>) attributes {dimension_semantics = [#tpu.dimension_semantics<parallel>], iteration_bounds = array<i64: 16>, scalar_prefetch = 0 : i64, scratch_operands = 0 : i64, tpu.core_type = #tpu.core_type<tc>, window_params = [{transform_indices = @transform_0, window_bounds = array<i64: 2048, 1024>}, {pipeline_mode = #tpu.pipeline_mode<synchronous>, transform_indices = @transform_1, window_bounds = array<i64: 8, 1024>}, {pipeline_mode = #tpu.pipeline_mode<synchronous>, transform_indices = @transform_2, window_bounds = array<i64: 8, 1>}, {transform_indices = @transform_3, window_bounds = array<i64: 8, 2048>}]} {
    %get3A = arith.constant 0 : index
    %get3A_0 = arith.constant 0 : index
    %get3A_1 = vector.load %arg1[%get3A, %get3A_0] : memref<2048x1024xf32, #tpu.memory_space<vmem>>, vector<2048x1024xf32>
    %get3A_2 = arith.constant 0 : index
    %get3A_3 = arith.constant 0 : index
    %get3A_4 = vector.load %arg2[%get3A_2, %get3A_3] : memref<8x1024xf32, #tpu.memory_space<vmem>>, vector<8x1024xf32>
    %dot_general3A = arith.constant dense<0.000000e+00> : vector<2048x8xf32>
    %dot_general3A_5 = tpu.matmul %get3A_1, %get3A_4, %dot_general3A {dimension_numbers = #tpu.dot_dimension_numbers<[1], [1], [0], [0], [0, 0, 1, 0], [], []>, transpose_lhs_hint = false} : vector<2048x1024xf32>, vector<8x1024xf32>, vector<2048x8xf32> -> vector<2048x8xf32>
    %transpose3A = tpu.transpose %dot_general3A_5, [1, 0] : vector<2048x8xf32> -> vector<8x2048xf32>
    %get3A_6 = arith.constant 0 : index
    %get3A_7 = arith.constant 0 : index
    %get3A_8 = vector.load %arg3[%get3A_6, %get3A_7] : memref<8x1xf32, #tpu.memory_space<vmem>>, vector<8x1xf32>
    %add3A = vector.broadcast %get3A_8 : vector<8x1xf32> to vector<8x2048xf32>
    %add3A_9 = arith.addf %transpose3A, %add3A : vector<8x2048xf32>
    %swap3A = arith.constant 0 : index
    %swap3A_10 = arith.constant 0 : index
    %swap3A_11 = vector.load %arg4[%swap3A, %swap3A_10] : memref<8x2048xf32, #tpu.memory_space<vmem>>, vector<8x2048xf32>
    tpu.vector_store %arg4[%swap3A, %swap3A_10], %add3A_9 {strides = array<i32>} : memref<8x2048xf32, #tpu.memory_space<vmem>>, vector<8x2048xf32>,
    return
  }
  func.func @transform_0(%arg0: i32) -> (i32, i32) {
    %c0_i32 = arith.constant 0 : i32
    %c0_i32_0 = arith.constant 0 : i32
    return %arg0, %c0_i32 : i32, i32
  }
  func.func @transform_1(%arg0: i32) -> (i32, i32) {
    %c0_i32 = arith.constant 0 : i32
    %c0_i32_0 = arith.constant 0 : i32
    %c0_i32_1 = arith.constant 0 : i32
    return %c0_i32, %c0_i32_0 : i32, i32
  }
  func.func @transform_2(%arg0: i32) -> (i32, i32) {
    %c0_i32 = arith.constant 0 : i32
    %c0_i32_0 = arith.constant 0 : i32
    %c0_i32_1 = arith.constant 0 : i32
    return %c0_i32, %c0_i32_0 : i32, i32
  }
  func.func @transform_3(%arg0: i32) -> (i32, i32) {
    %c0_i32 = arith.constant 0 : i32
    %c0_i32_0 = arith.constant 0 : i32
    return %c0_i32, %arg0 : i32, i32
  }
}

</mosaic_0001>

<sc_bundles>
// kernel: kernel.4.cloned.1.call-start
scs
__scs_entry_jumppad:
0x0: {  	(pc) =	sbr.rel $0x88, $3  }
0x1: {  	(tag) =	ssettag $0x0;
	lr =	simm.s32 $0x1  }
0x2: {  	[smem:$0x3F9E] =	sst lr;
	_ =	strace $0xD0000000  }
0x3: {  	_ = 	snop  }
0x4: {  	_ = 	snop  }
0x5: {  	_ = 	snop  }
0x6: {  	_ = 	snop  }
0x7: {  	_ = 	snop  }
__scs_overlays_trampoline_lowered:
0x8: {  	[smem:$0x3FAD] =	sst s0  }
0x9: {  	[smem:$0x3FAE] =	sst s1  }
0xa: {  	[smem:$0x3FAF] =	sst s2  }
0xb: {  	[smem:$0x3FB0] =	sst s3  }
0xc: {  	[smem:$0x3FB1] =	sst s4  }
0xd: {  	[smem:$0x3FB2] =	sst s5  }
0xe: {  	[smem:$0x3FB3] =	sst s6  }
0xf: {  	[smem:$0x3FB4] =	sst s7  }
0x10: {  	[smem:$0x3FB5] =	sst s8  }
0x11: {  	[smem:$0x3FB6] =	sst s9;
	s0 =	simm.s32 @!p0 $0x0  }
0x12: {  	s1 =	sld [smem:$0x3F9C];
	s0 =	simm.s32 @p0 $0x1  }
0x13: {  	[smem:$0x3FB7] =	sst s0;
	s0 =	simm.s32 @!p1 $0x0  }
0x14: {  	s2 =	sld [smem:$0x3F9B];
	s0 =	simm.s32 @p1 $0x1  }
0x15: {  	[smem:$0x3FB8] =	sst s0;
	s0 =	simm.s32 @!p2 $0x0  }
0x16: {  	s3 =	sld [smem:$0x3FDB];
	s0 =	simm.s32 @p2 $0x1  }
0x17: {  	s4 =	simm.s32 $0x1BF5;
	[smem:$0x3FBA] =	sst s0  }
0x18: {  	s0 =	sld [smem:$0x3F9D];
	_ =	swait.ge [sflag:s4], $0x0  }
0x19: {  	s7 =	sld [smem:$0x3F9E]  }
0x1a: {  	s8 =	sadd.s32 $0xFFFFE003, lr  }
0x1b: {  	s9 =	sadd.s32 $0xFFFFFEF7, lr;
	s5 =	simm.s32 $0xFFFFFFFF;
	p2 =	slt.u32 s8, $0xFFFFF086  }
0x1c: {  	p1 =	slt.u32 s9, $0xF7A;
	s5 =	simm.s32 @!p2 $0x0  }
0x1d: {  	s5 =	simm.s32 @p1 $0x1;
	p0 =	seq.s32 s7, s2  }
0x1e: {  	s7 =	smul.u32 @!p0 $0xF7A, s2;
	p2 =	seq.s32 @!p0 s5, $0x0  }
0x1f: {  	s9 =	smul.u32 $0xF7A, s1;
	s8 =	simm.s32 @!p0 $0x1BF5;
	p2 =	por !p2, p0  }
0x20: {  	[sflag:s8] =	ssyncset.s32 @!p0 $0xFFFFF086;
	s6 =	sadd.s32 @!p0 s3, s7;
	s7 =	simm.s32 @!p0 $0x108  }
0x21: {  	s3 =	sadd.s32 s3, s9;
	s6 =	sadd.s32 @!p0 $0x88, s6;
	s7 =	simm.s32 @p2 $0x1082  }
0x22: {  	[simem:s7], [sflag:s8] =	dma.local @!p0 [hbm:s6], $0xF7A  }
0x23: {  	s9 =	sor.u32 $0xD0000000, s2;
	s6 =	simm.s32 $0x108;
	_ =	swait.ge @!p0 [sflag:s8], $0x0  }
0x24: {  	s3 =	sadd.s32 $0x88, s3;
	s6 =	simm.s32 @!p1 $0x1082;
	[sflag:s4] =	ssyncset.s32 $0xFFFFF086  }
0x25: {  	[simem:s6], [sflag:s4] =	dma.local [hbm:s3], $0xF7A  }
0x26: {  	[smem:$0x3F9E] =	sst s1;
	(tag) =	ssettag s2;
	_ =	strace s9  }
0x27: {  	s1 =	sld [smem:$0x3FAE]  }
0x28: {  	s2 =	sld [smem:$0x3FAF]  }
0x29: {  	s4 =	sld [smem:$0x3FB1]  }
0x2a: {  	p0 =	seq.s32 s5, $0x0;
	s5 =	sld [smem:$0x3FB2]  }
0x2b: {  	s6 =	sld [smem:$0x3FB3]  }
0x2c: {  	s7 =	sld [smem:$0x3FB4]  }
0x2d: {  	s3 =	simm.s32 $0x108;
	s8 =	sld [smem:$0x3FB5]  }
0x2e: {  	s3 =	simm.s32 @!p0 $0x1082;
	s9 =	sld [smem:$0x3FB6]  }
0x2f: {  	lr =	sadd.s32 s0, s3;
	s0 =	sld [smem:$0x3FAD]  }
0x30: {  	s3 =	sld [smem:$0x3FB0]  }
0x31: {  	[smem:$0x3FB9] =	sst s10  }
0x32: {  	s10 =	sld [smem:$0x3FB7];
	_ =	sdelay $0x3  }
0x33: {  	p0 =	seq.s32 s10, $0x1;
	s10 =	sld [smem:$0x3FB9];
	_ =	sdelay $0x3  }
0x34: {  	[smem:$0x3FB9] =	sst s10  }
0x35: {  	s10 =	sld [smem:$0x3FB8];
	_ =	sdelay $0x3  }
0x36: {  	p1 =	seq.s32 s10, $0x1;
	s10 =	sld [smem:$0x3FB9];
	_ =	sdelay $0x3  }
0x37: {  	[smem:$0x3FB9] =	sst s10  }
0x38: {  	s10 =	sld [smem:$0x3FBA]  }
0x39: {  	_ = 	snop;
	(pc) =	sbr.ind lr, $3  }
0x3a: {  	_ = 	snop  }
0x3b: {  	_ = 	snop  }
0x3c: {  	p2 =	seq.s32 s10, $0x1;
	s10 =	sld [smem:$0x3FB9]  }
0x3d: {  	_ =	shalt  }
0x3e: {  	_ =	shalt  }
0x3f: {  	_ =	shalt  }
0x40: {  	_ =	shalt  }
0x41: {  	_ =	shalt  }
0x42: {  	_ =	shalt  }
0x43: {  	_ =	shalt  }
0x44: {  	_ =	shalt  }
0x45: {  	_ =	shalt  }
0x46: {  	_ =	shalt  }
0x47: {  	_ =	shalt  }
0x48: {  	_ =	shalt  }
0x49: {  	_ =	shalt  }
0x4a: {  	_ =	shalt  }
0x4b: {  	_ =	shalt  }
0x4c: {  	_ =	shalt  }
0x4d: {  	_ =	shalt  }
0x4e: {  	_ =	shalt  }
0x4f: {  	_ =	shalt  }
0x50: {  	_ =	shalt  }
0x51: {  	_ =	shalt  }
0x52: {  	_ =	shalt  }
0x53: {  	_ =	shalt  }
0x54: {  	_ =	shalt  }
0x55: {  	_ =	shalt  }
0x56: {  	_ =	shalt  }
0x57: {  	_ =	shalt  }
0x58: {  	_ =	shalt  }
0x59: {  	_ =	shalt  }
0x5a: {  	_ =	shalt  }
0x5b: {  	_ =	shalt  }
0x5c: {  	_ =	shalt  }
0x5d: {  	_ =	shalt  }
0x5e: {  	_ =	shalt  }
0x5f: {  	_ =	shalt  }
0x60: {  	_ =	shalt  }
0x61: {  	_ =	shalt  }
0x62: {  	_ =	shalt  }
0x63: {  	_ =	shalt  }
0x64: {  	_ =	shalt  }
0x65: {  	_ =	shalt  }
0x66: {  	_ =	shalt  }
0x67: {  	_ =	shalt  }
0x68: {  	_ =	shalt  }
0x69: {  	_ =	shalt  }
0x6a: {  	_ =	shalt  }
0x6b: {  	_ =	shalt  }
0x6c: {  	_ =	shalt  }
0x6d: {  	_ =	shalt  }
0x6e: {  	_ =	shalt  }
0x6f: {  	_ =	shalt  }
0x70: {  	_ =	shalt  }
0x71: {  	_ =	shalt  }
0x72: {  	_ =	shalt  }
0x73: {  	_ =	shalt  }
0x74: {  	_ =	shalt  }
0x75: {  	_ =	shalt  }
0x76: {  	_ =	shalt  }
0x77: {  	_ =	shalt  }
0x78: {  	_ =	shalt  }
0x79: {  	_ =	shalt  }
0x7a: {  	_ =	shalt  }
0x7b: {  	_ =	shalt  }
0x7c: {  	_ =	shalt  }
0x7d: {  	_ =	shalt  }
0x7e: {  	_ =	shalt  }
0x7f: {  	_ =	shalt  }
0x80: {  	_ =	shalt  }
0x81: {  	_ =	shalt  }
0x82: {  	_ =	shalt  }
0x83: {  	_ =	shalt  }
0x84: {  	_ =	shalt  }
0x85: {  	_ =	shalt  }
0x86: {  	_ =	shalt  }
0x87: {  	_ =	shalt  }
.Lfunc_end0:
.L_simem_size_0:
called_computation_lowered:
.L_overlay_start_0:
0x88: {  	s2 =	sld [smem:$0x3FD9]  }
0x89: {  	s3 =	sld [smem:$0x3FFE];
	_ =	sdelay $0x1  }
0x8a: {  	s1 =	srdreg.scid  }
0x8b: {  	s0 =	sand.u32 $0x1, s1  }
0x8c: {  	s14 =	sshll.u32 s0, $0xA;
	s2 =	sadd.s32 s3, s2  }
0x8d: {  	s2 =	sadd.s32 s2, s14  }
0x8e: {  	[smem:$0x3FC5] =	sst s2  }
0x8f: {  	_ = 	snop  }
0x90: {  	s2 =	sld [smem:$0x3FD0];
	_ =	sdelay $0x2  }
0x91: {  	s15 =	simm.s32 $0xA;
	s4 =	simm.s32 $0x10  }
0x92: {  	[smem:s4], [sflag:s15] =	dma.local [hbm:s2], $0x1  }
0x93: {  	_ =	swait.eq [sflag:s15], $0x1  }
0x94: {  	[sflag:s15] =	ssyncset.done $0x0  }
0x95: {  	s16 =	sld [smem:$0x10];
	[sflag:s15] =	ssyncadd.s32 $0xFFFFFFFF  }
0x96: {  	s17 =	sld [smem:$0x11];
	(tm) =	ssettm $0x1  }
0x97: {  	s18 =	sld [smem:$0x3FFB];
	_ =	sdelay $0x3  }
0x98: {  	_ =	strace s18  }
0x99: {  	s4 =	sld [smem:$0x3FFC];
	_ =	sdelay $0x3  }
0x9a: {  	_ =	strace s4  }
0x9b: {  	s4 =	sld [smem:$0x3FFD];
	_ =	sdelay $0x3  }
0x9c: {  	_ =	strace s4  }
0x9d: {  	_ =	strace $0x8FFFFFFF  }
0x9e: {  	s19 =	sld [smem:$0x3FDB];
	_ =	sdelay $0x1  }
0x9f: {  	s5 =	simm.s32 $_scs_section_size  }
0xa0: {  	s6 =	simm.s32 $_size__tile_overlayer_lowered;
	s7 =	simm.s32 $_tile_overlayer_lowered  }
0xa1: {  	s22 =	simm.s32 $0x1BFF;
	s21 =	sshll.u32 s7, $0x1;
	s4 =	sadd.s32 s5, s19  }
0xa2: {  	s8 =	simm.s32 $0x0;
	s20 =	sshll.u32 s6, $0x1;
	s6 =	sadd.s32 s21, s4  }
0xa3: {  	[timem:s8], [sflag:s22] =	dma.local [hbm:s6], s20  }
0xa4: {  	_ =	swait.ge [sflag:s22], s20  }
0xa5: {  	s5 =	ssub.s32 $0x0, s20;
	[sflag:s22] =	ssyncset.done $0x0  }
0xa6: {  	[sflag:s22] =	ssyncadd.s32 s5;
	_ =	sdelay $0x1  }
0xa7: {  	s23 =	simm.s32 $0x1B8B  }
0xa8: {  	_ =	swait.ge [sflag:s23], $0x1  }
0xa9: {  	[sflag:s23] =	ssyncset.done $0x0  }
0xaa: {  	s25 =	simm.s32 $0x1B8E;
	s24 =	sld [smem:$0x3FFE];
	[sflag:s23] =	ssyncadd.s32 $0xFFFFFFFF  }
0xab: {  	s26 =	simm.s32 $execute0_lowered;
	[smem:$0x3FD2] =	sst s25  }
0xac: {  	s6 =	sshll.u32 s26, $0x1;
	_ =	strace $0x80000046;
	[dreg:$0x1] =	wrdreg $0xFFFFFFFF  }
0xad: {  	s28 =	simm.s32 $_size_execute0_lowered;
	s4 =	sadd.s32 s4, s6;
	[dreg:$0x0] =	wrdreg $0x0  }
0xae: {  	s6 =	sshll.u32 s28, $0x1;
	[dreg:$0x2] =	wrdreg s4  }
0xaf: {  	[dreg:$0x3] =	wrdreg s6  }
0xb0: {  	[dreg:$0x4] =	wrdreg $0xC0  }
0xb1: {  	_ =	task [dreg:s8], $0x5FFFF  }
0xb2: {  	[dreg:$0x1] =	wrdreg $0xFFFFFFFF  }
0xb3: {  	[dreg:$0x0] =	wrdreg $0x60  }
0xb4: {  	[dreg:$0x2] =	wrdreg s24  }
0xb5: {  	[dreg:$0x3] =	wrdreg s16  }
0xb6: {  	[dreg:$0x4] =	wrdreg s17  }
0xb7: {  	[dreg:$0x5] =	wrdreg $0x9  }
0xb8: {  	_ =	task.clear_ibuf [dreg:s8], $0x6FFFF;
	_ =	strace $0x90000046  }
0xb9: {  	s29 =	simm.s32 $0x9;
	_ =	strace $0x80000048  }
0xba: {  	_ =	swait.ge [sflag:s29], $0x1  }
0xbb: {  	[sflag:s29] =	ssyncadd.s32 $0xFFFFFFFF  }
0xbc: {  	_ =	strace $0x90000048  }
0xbd: {  	_ =	sfence  }
0xbe: {  	s30 =	sld [smem:$0x0];
	_ =	sdelay $0x2  }
0xbf: {  	s31 =	sshll.u32 s1, $0xD;
	s1 =	sshrl.u32 s1, $0x2  }
0xc0: {  	s3 =	sand.u32 $0x4000, s31;
	s1 =	sadd.s32 s1, s30  }
0xc1: {  	s0 =	sor.u32 s3, s0;
	s1 =	sshll.u32 s1, $0x11  }
0xc2: {  	s0 =	sor.u32 s1, s0  }
0xc3: {  	s0 =	sadd.s32 $0x8F2B, s0  }
0xc4: {  	[sflag:s0] =	ssyncadd.remote.s32 $0x1  }
0xc5: {  	_ =	sfence.sel $0xFFFF  }
0xc6: {  	[dreg:$0x0] =	wrdreg $0xFFFFFFFF;
	(pc) =	sbr.abs _section_cstart, $3  }
0xc7: {  	[dreg:$0x1] =	wrdreg $0xFFFFFFFF  }
0xc8: {  	_ =	task.clear_ibuf [dreg:s8], $0x2FFFF;
	_ =	strace $0x9FFFFFFF  }
0xc9: {  	(tm) =	ssettm $0x7FFFFFFF  }
tec
execute0_lowered:
.L_overlay_start_1:
0x0: {  	(tag) =	ssettag $0x1  }
0x1: {  	s0 =	rddreg [dreg:$0x0]  }
0x2: {  	s1 =	rddreg [dreg:$0x1]  }
0x3: {  	s14 =	rddreg [dreg:$0x2]  }
0x4: {  	s2 =	srdreg.scid;
	s4 =	stileid.u32  }
0x5: {  	s31 =	simm.s32 $0x1;
	s29 =	simm.s32 $0x0;
	s3 =	sand.u32 $0x1, s2  }
0x6: {  	s2 =	simm.s32 $0x0;
	s4 =	sshll.u32 s4, $0xB;
	s5 =	sshll.u32 s3, $0xA  }
0x7: {  	[smem:$0x7FF] =	sst s2;
	s3 =	ssub.s32 $0x2, s3;
	s10 =	sor.u32 s5, s4  }
0x8: {  	_ =	strace $0x80000047;
	s28 =	sshrl.u32 s3, $0x1;
	s0 =	sadd.s32 s10, s0  }
0x9: {  	s15 =	ssub.s32 s3, s28;
	s12 =	sshrl.u32 s10, $0x2;
	s30 =	sadd.s32 $0xC00, s0  }
0xa: {  	s4 =	sadd.s32 $0xC10, s0;
	s5 =	sadd.s32 $0xC20, s0;
	s6 =	sadd.s32 $0xC30, s0  }
0xb: {  	s7 =	sadd.s32 $0xC40, s0;
	s8 =	sadd.s32 $0xC50, s0;
	s9 =	sadd.s32 $0xC60, s0  }
0xc: {  	s10 =	sadd.s32 $0xC70, s0;
	s11 =	sadd.s32 s1, s12;
	s16 =	sor.u32 $0x10, s12  }
0xd: {  	s12 =	sadd.s32 s14, s12;
	s15 =	smax.u32 s15, $0x1;
	s17 =	sadd.s32 $0xD00, s0  }
0xe: {  	s18 =	sadd.s32 $0xD80, s0;
	s19 =	sadd.s32 $0xE00, s0;
	s20 =	sadd.s32 $0xE80, s0  }
0xf: {  	s21 =	sadd.s32 $0xF00, s0;
	s22 =	sadd.s32 $0xF80, s0;
	[dreg:$0x4] =	wrdreg s30  }
0x10: {  	v0 =	vimm.s32 $0x0;
	v1 =	vimm.s32 $0x8;
	s13 =	sadd.s32 s1, s16;
	s14 =	sadd.s32 s14, s16;
	s16 =	sadd.s32 $0xC80, s0  }
.LBB2_1:
0x11: {  	s0 =	rddreg [dreg:$0x4]  }
0x12: {  	[tilespmem:s2], [sflag:$0x1] =	stream.linear.gather [hbm4b:s0+s2], $0x80, $0x38;
	[tilespmem:$0x3000] =	vst v63  }
0x13: {  	s26 =	simm.s32 $0x400  }
0x14: {  	[tilespmem:s26], [sflag:$0x1] =	stream.linear.gather [hbm4b:s16+s2], $0x80, $0x38;
	[tilespmem:$0x3000] =	vst v63  }
0x15: {  	s1 =	simm.s32 $0x800  }
0x16: {  	[tilespmem:s1], [sflag:$0x1] =	stream.linear.gather [hbm4b:s17+s2], $0x80, $0x38;
	[tilespmem:$0x3000] =	vst v63  }
0x17: {  	s3 =	simm.s32 $0xC00  }
0x18: {  	[tilespmem:s3], [sflag:$0x1] =	stream.linear.gather [hbm4b:s18+s2], $0x80, $0x38;
	[tilespmem:$0x3000] =	vst v63  }
0x19: {  	s23 =	simm.s32 $0x1000  }
0x1a: {  	[tilespmem:s23], [sflag:$0x1] =	stream.linear.gather [hbm4b:s19+s2], $0x80, $0x38;
	[tilespmem:$0x3000] =	vst v63  }
0x1b: {  	s24 =	simm.s32 $0x1400  }
0x1c: {  	[tilespmem:s24], [sflag:$0x1] =	stream.linear.gather [hbm4b:s20+s2], $0x80, $0x38;
	[tilespmem:$0x3000] =	vst v63  }
0x1d: {  	s25 =	simm.s32 $0x1800  }
0x1e: {  	[tilespmem:s25], [sflag:$0x1] =	stream.linear.gather [hbm4b:s21+s2], $0x80, $0x38;
	[tilespmem:$0x3000] =	vst v63  }
0x1f: {  	s26 =	simm.s32 $0x1C00  }
0x20: {  	[tilespmem:s26], [sflag:$0x1] =	stream.linear.gather [hbm4b:s22+s2], $0x80, $0x38;
	[tilespmem:$0x3000] =	vst v63  }
0x21: {  	_ =	swait.ge [sflag:s31], $0x400  }
0x22: {  	[sflag:s31] =	ssyncset.done $0x0  }
0x23: {  	s1 =	simm.s32 $0x80;
	[sflag:s31] =	ssyncadd.s32 $0xFFFFFC00  }
0x24: {  	[tilespmem:s1], [sflag:$0x1] =	stream.linear.gather [hbm4b:s4+s2], $0x80, $0x38;
	[tilespmem:$0x3000] =	vst v63  }
0x25: {  	s3 =	sadd.s32 $0x80, s4;
	s1 =	simm.s32 $0x480  }
0x26: {  	[tilespmem:s1], [sflag:$0x1] =	stream.linear.gather [hbm4b:s3+s2], $0x80, $0x38;
	[tilespmem:$0x3000] =	vst v63  }
0x27: {  	s23 =	sadd.s32 $0x100, s4;
	s24 =	simm.s32 $0x880  }
0x28: {  	[tilespmem:s24], [sflag:$0x1] =	stream.linear.gather [hbm4b:s23+s2], $0x80, $0x38;
	[tilespmem:$0x3000] =	vst v63  }
0x29: {  	s25 =	sadd.s32 $0x180, s4;
	s26 =	simm.s32 $0xC80  }
0x2a: {  	[tilespmem:s26], [sflag:$0x1] =	stream.linear.gather [hbm4b:s25+s2], $0x80, $0x38;
	[tilespmem:$0x3000] =	vst v63  }
0x2b: {  	s1 =	sadd.s32 $0x200, s4;
	s3 =	simm.s32 $0x1080  }
0x2c: {  	[tilespmem:s3], [sflag:$0x1] =	stream.linear.gather [hbm4b:s1+s2], $0x80, $0x38;
	[tilespmem:$0x3000] =	vst v63  }
0x2d: {  	s23 =	sadd.s32 $0x280, s4;
	s24 =	simm.s32 $0x1480  }
0x2e: {  	[tilespmem:s24], [sflag:$0x1] =	stream.linear.gather [hbm4b:s23+s2], $0x80, $0x38;
	[tilespmem:$0x3000] =	vst v63  }
0x2f: {  	s25 =	sadd.s32 $0x300, s4;
	s26 =	simm.s32 $0x1880  }
0x30: {  	[tilespmem:s26], [sflag:$0x1] =	stream.linear.gather [hbm4b:s25+s2], $0x80, $0x38;
	[tilespmem:$0x3000] =	vst v63  }
0x31: {  	s3 =	sadd.s32 $0x380, s4;
	s23 =	simm.s32 $0x1C80  }
0x32: {  	[tilespmem:s23], [sflag:$0x1] =	stream.linear.gather [hbm4b:s3+s2], $0x80, $0x38;
	[tilespmem:$0x3000] =	vst v63  }
0x33: {  	_ =	swait.ge [sflag:s31], $0x400  }
0x34: {  	[sflag:s31] =	ssyncset.done $0x0  }
0x35: {  	s24 =	simm.s32 $0x100;
	[sflag:s31] =	ssyncadd.s32 $0xFFFFFC00  }
0x36: {  	[tilespmem:s24], [sflag:$0x1] =	stream.linear.gather [hbm4b:s5+s2], $0x80, $0x38;
	[tilespmem:$0x3000] =	vst v63  }
0x37: {  	s25 =	sadd.s32 $0x80, s5;
	s26 =	simm.s32 $0x500  }
0x38: {  	[tilespmem:s26], [sflag:$0x1] =	stream.linear.gather [hbm4b:s25+s2], $0x80, $0x38;
	[tilespmem:$0x3000] =	vst v63  }
0x39: {  	s1 =	sadd.s32 $0x100, s5;
	s3 =	simm.s32 $0x900  }
0x3a: {  	[tilespmem:s3], [sflag:$0x1] =	stream.linear.gather [hbm4b:s1+s2], $0x80, $0x38;
	[tilespmem:$0x3000] =	vst v63  }
0x3b: {  	s23 =	sadd.s32 $0x180, s5;
	s24 =	simm.s32 $0xD00  }
0x3c: {  	[tilespmem:s24], [sflag:$0x1] =	stream.linear.gather [hbm4b:s23+s2], $0x80, $0x38;
	[tilespmem:$0x3000] =	vst v63  }
0x3d: {  	s25 =	sadd.s32 $0x200, s5;
	s26 =	simm.s32 $0x1100  }
0x3e: {  	[tilespmem:s26], [sflag:$0x1] =	stream.linear.gather [hbm4b:s25+s2], $0x80, $0x38;
	[tilespmem:$0x3000] =	vst v63  }
0x3f: {  	s1 =	sadd.s32 $0x280, s5;
	s3 =	simm.s32 $0x1500  }
0x40: {  	[tilespmem:s3], [sflag:$0x1] =	stream.linear.gather [hbm4b:s1+s2], $0x80, $0x38;
	[tilespmem:$0x3000] =	vst v63  }
0x41: {  	s23 =	sadd.s32 $0x300, s5;
	s24 =	simm.s32 $0x1900  }
0x42: {  	[tilespmem:s24], [sflag:$0x1] =	stream.linear.gather [hbm4b:s23+s2], $0x80, $0x38;
	[tilespmem:$0x3000] =	vst v63  }
0x43: {  	s25 =	sadd.s32 $0x380, s5;
	s26 =	simm.s32 $0x1D00  }
0x44: {  	[tilespmem:s26], [sflag:$0x1] =	stream.linear.gather [hbm4b:s25+s2], $0x80, $0x38;
	[tilespmem:$0x3000] =	vst v63  }
0x45: {  	_ =	swait.ge [sflag:s31], $0x400  }
0x46: {  	[sflag:s31] =	ssyncset.done $0x0  }
0x47: {  	s3 =	simm.s32 $0x180;
	[sflag:s31] =	ssyncadd.s32 $0xFFFFFC00  }
0x48: {  	[tilespmem:s3], [sflag:$0x1] =	stream.linear.gather [hbm4b:s6+s2], $0x80, $0x38;
	[tilespmem:$0x3000] =	vst v63  }
0x49: {  	s23 =	sadd.s32 $0x80, s6;
	s24 =	simm.s32 $0x580  }
0x4a: {  	[tilespmem:s24], [sflag:$0x1] =	stream.linear.gather [hbm4b:s23+s2], $0x80, $0x38;
	[tilespmem:$0x3000] =	vst v63  }
0x4b: {  	s25 =	sadd.s32 $0x100, s6;
	s26 =	simm.s32 $0x980  }
0x4c: {  	[tilespmem:s26], [sflag:$0x1] =	stream.linear.gather [hbm4b:s25+s2], $0x80, $0x38;
	[tilespmem:$0x3000] =	vst v63  }
0x4d: {  	s1 =	sadd.s32 $0x180, s6;
	s3 =	simm.s32 $0xD80  }
0x4e: {  	[tilespmem:s3], [sflag:$0x1] =	stream.linear.gather [hbm4b:s1+s2], $0x80, $0x38;
	[tilespmem:$0x3000] =	vst v63  }
0x4f: {  	s23 =	sadd.s32 $0x200, s6;
	s24 =	simm.s32 $0x1180  }
0x50: {  	[tilespmem:s24], [sflag:$0x1] =	stream.linear.gather [hbm4b:s23+s2], $0x80, $0x38;
	[tilespmem:$0x3000] =	vst v63  }
0x51: {  	s25 =	sadd.s32 $0x280, s6;
	s26 =	simm.s32 $0x1580  }
0x52: {  	[tilespmem:s26], [sflag:$0x1] =	stream.linear.gather [hbm4b:s25+s2], $0x80, $0x38;
	[tilespmem:$0x3000] =	vst v63  }
0x53: {  	s3 =	sadd.s32 $0x300, s6;
	s23 =	simm.s32 $0x1980  }
0x54: {  	[tilespmem:s23], [sflag:$0x1] =	stream.linear.gather [hbm4b:s3+s2], $0x80, $0x38;
	[tilespmem:$0x3000] =	vst v63  }
0x55: {  	s24 =	sadd.s32 $0x380, s6;
	s25 =	simm.s32 $0x1D80  }
0x56: {  	[tilespmem:s25], [sflag:$0x1] =	stream.linear.gather [hbm4b:s24+s2], $0x80, $0x38;
	[tilespmem:$0x3000] =	vst v63  }
0x57: {  	_ =	swait.ge [sflag:s31], $0x400  }
0x58: {  	[sflag:s31] =	ssyncset.done $0x0  }
0x59: {  	s26 =	simm.s32 $0x200;
	[sflag:s31] =	ssyncadd.s32 $0xFFFFFC00  }
0x5a: {  	[tilespmem:s26], [sflag:$0x1] =	stream.linear.gather [hbm4b:s7+s2], $0x80, $0x38;
	[tilespmem:$0x3000] =	vst v63  }
0x5b: {  	s1 =	sadd.s32 $0x80, s7;
	s3 =	simm.s32 $0x600  }
0x5c: {  	[tilespmem:s3], [sflag:$0x1] =	stream.linear.gather [hbm4b:s1+s2], $0x80, $0x38;
	[tilespmem:$0x3000] =	vst v63  }
0x5d: {  	s23 =	sadd.s32 $0x100, s7;
	s24 =	simm.s32 $0xA00  }
0x5e: {  	[tilespmem:s24], [sflag:$0x1] =	stream.linear.gather [hbm4b:s23+s2], $0x80, $0x38;
	[tilespmem:$0x3000] =	vst v63  }
0x5f: {  	s25 =	sadd.s32 $0x180, s7;
	s26 =	simm.s32 $0xE00  }
0x60: {  	[tilespmem:s26], [sflag:$0x1] =	stream.linear.gather [hbm4b:s25+s2], $0x80, $0x38;
	[tilespmem:$0x3000] =	vst v63  }
0x61: {  	s1 =	sadd.s32 $0x200, s7;
	s3 =	simm.s32 $0x1200  }
0x62: {  	[tilespmem:s3], [sflag:$0x1] =	stream.linear.gather [hbm4b:s1+s2], $0x80, $0x38;
	[tilespmem:$0x3000] =	vst v63  }
0x63: {  	s23 =	sadd.s32 $0x280, s7;
	s24 =	simm.s32 $0x1600  }
0x64: {  	[tilespmem:s24], [sflag:$0x1] =	stream.linear.gather [hbm4b:s23+s2], $0x80, $0x38;
	[tilespmem:$0x3000] =	vst v63  }
0x65: {  	s25 =	sadd.s32 $0x300, s7;
	s26 =	simm.s32 $0x1A00  }
0x66: {  	[tilespmem:s26], [sflag:$0x1] =	stream.linear.gather [hbm4b:s25+s2], $0x80, $0x38;
	[tilespmem:$0x3000] =	vst v63  }
0x67: {  	s3 =	sadd.s32 $0x380, s7;
	s23 =	simm.s32 $0x1E00  }
0x68: {  	[tilespmem:s23], [sflag:$0x1] =	stream.linear.gather [hbm4b:s3+s2], $0x80, $0x38;
	[tilespmem:$0x3000] =	vst v63  }
0x69: {  	_ =	swait.ge [sflag:s31], $0x400  }
0x6a: {  	[sflag:s31] =	ssyncset.done $0x0  }
0x6b: {  	s24 =	simm.s32 $0x280;
	[sflag:s31] =	ssyncadd.s32 $0xFFFFFC00  }
0x6c: {  	[tilespmem:s24], [sflag:$0x1] =	stream.linear.gather [hbm4b:s8+s2], $0x80, $0x38;
	[tilespmem:$0x3000] =	vst v63  }
0x6d: {  	s25 =	sadd.s32 $0x80, s8;
	s26 =	simm.s32 $0x680  }
0x6e: {  	[tilespmem:s26], [sflag:$0x1] =	stream.linear.gather [hbm4b:s25+s2], $0x80, $0x38;
	[tilespmem:$0x3000] =	vst v63  }
0x6f: {  	s1 =	sadd.s32 $0x100, s8;
	s3 =	simm.s32 $0xA80  }
0x70: {  	[tilespmem:s3], [sflag:$0x1] =	stream.linear.gather [hbm4b:s1+s2], $0x80, $0x38;
	[tilespmem:$0x3000] =	vst v63  }
0x71: {  	s23 =	sadd.s32 $0x180, s8;
	s24 =	simm.s32 $0xE80  }
0x72: {  	[tilespmem:s24], [sflag:$0x1] =	stream.linear.gather [hbm4b:s23+s2], $0x80, $0x38;
	[tilespmem:$0x3000] =	vst v63  }
0x73: {  	s25 =	sadd.s32 $0x200, s8;
	s26 =	simm.s32 $0x1280  }
0x74: {  	[tilespmem:s26], [sflag:$0x1] =	stream.linear.gather [hbm4b:s25+s2], $0x80, $0x38;
	[tilespmem:$0x3000] =	vst v63  }
0x75: {  	s1 =	sadd.s32 $0x280, s8;
	s3 =	simm.s32 $0x1680  }
0x76: {  	[tilespmem:s3], [sflag:$0x1] =	stream.linear.gather [hbm4b:s1+s2], $0x80, $0x38;
	[tilespmem:$0x3000] =	vst v63  }
0x77: {  	s23 =	sadd.s32 $0x300, s8;
	s24 =	simm.s32 $0x1A80  }
0x78: {  	[tilespmem:s24], [sflag:$0x1] =	stream.linear.gather [hbm4b:s23+s2], $0x80, $0x38;
	[tilespmem:$0x3000] =	vst v63  }
0x79: {  	s25 =	sadd.s32 $0x380, s8;
	s26 =	simm.s32 $0x1E80  }
0x7a: {  	[tilespmem:s26], [sflag:$0x1] =	stream.linear.gather [hbm4b:s25+s2], $0x80, $0x38;
	[tilespmem:$0x3000] =	vst v63  }
0x7b: {  	_ =	swait.ge [sflag:s31], $0x400  }
0x7c: {  	[sflag:s31] =	ssyncset.done $0x0  }
0x7d: {  	s3 =	simm.s32 $0x300;
	[sflag:s31] =	ssyncadd.s32 $0xFFFFFC00  }
0x7e: {  	[tilespmem:s3], [sflag:$0x1] =	stream.linear.gather [hbm4b:s9+s2], $0x80, $0x38;
	[tilespmem:$0x3000] =	vst v63  }
0x7f: {  	s23 =	sadd.s32 $0x80, s9;
	s24 =	simm.s32 $0x700  }
0x80: {  	[tilespmem:s24], [sflag:$0x1] =	stream.linear.gather [hbm4b:s23+s2], $0x80, $0x38;
	[tilespmem:$0x3000] =	vst v63  }
0x81: {  	s25 =	sadd.s32 $0x100, s9;
	s26 =	simm.s32 $0xB00  }
0x82: {  	[tilespmem:s26], [sflag:$0x1] =	stream.linear.gather [hbm4b:s25+s2], $0x80, $0x38;
	[tilespmem:$0x3000] =	vst v63  }
0x83: {  	s1 =	sadd.s32 $0x180, s9;
	s3 =	simm.s32 $0xF00  }
0x84: {  	[tilespmem:s3], [sflag:$0x1] =	stream.linear.gather [hbm4b:s1+s2], $0x80, $0x38;
	[tilespmem:$0x3000] =	vst v63  }
0x85: {  	s23 =	sadd.s32 $0x200, s9;
	s24 =	simm.s32 $0x1300  }
0x86: {  	[tilespmem:s24], [sflag:$0x1] =	stream.linear.gather [hbm4b:s23+s2], $0x80, $0x38;
	[tilespmem:$0x3000] =	vst v63  }
0x87: {  	s25 =	sadd.s32 $0x280, s9;
	s26 =	simm.s32 $0x1700  }
0x88: {  	[tilespmem:s26], [sflag:$0x1] =	stream.linear.gather [hbm4b:s25+s2], $0x80, $0x38;
	[tilespmem:$0x3000] =	vst v63  }
0x89: {  	s3 =	sadd.s32 $0x300, s9;
	s23 =	simm.s32 $0x1B00  }
0x8a: {  	[tilespmem:s23], [sflag:$0x1] =	stream.linear.gather [hbm4b:s3+s2], $0x80, $0x38;
	[tilespmem:$0x3000] =	vst v63  }
0x8b: {  	s24 =	sadd.s32 $0x380, s9;
	s25 =	simm.s32 $0x1F00  }
0x8c: {  	[tilespmem:s25], [sflag:$0x1] =	stream.linear.gather [hbm4b:s24+s2], $0x80, $0x38;
	[tilespmem:$0x3000] =	vst v63  }
0x8d: {  	_ =	swait.ge [sflag:s31], $0x400  }
0x8e: {  	[sflag:s31] =	ssyncset.done $0x0  }
0x8f: {  	s26 =	simm.s32 $0x380;
	[sflag:s31] =	ssyncadd.s32 $0xFFFFFC00  }
0x90: {  	[tilespmem:s26], [sflag:$0x1] =	stream.linear.gather [hbm4b:s10+s2], $0x80, $0x38;
	[tilespmem:$0x3000] =	vst v63  }
0x91: {  	s1 =	sadd.s32 $0x80, s10;
	s3 =	simm.s32 $0x780  }
0x92: {  	[tilespmem:s3], [sflag:$0x1] =	stream.linear.gather [hbm4b:s1+s2], $0x80, $0x38;
	[tilespmem:$0x3000] =	vst v63  }
0x93: {  	s23 =	sadd.s32 $0x100, s10;
	s24 =	simm.s32 $0xB80  }
0x94: {  	[tilespmem:s24], [sflag:$0x1] =	stream.linear.gather [hbm4b:s23+s2], $0x80, $0x38;
	[tilespmem:$0x3000] =	vst v63  }
0x95: {  	s25 =	sadd.s32 $0x180, s10;
	s26 =	simm.s32 $0xF80  }
0x96: {  	[tilespmem:s26], [sflag:$0x1] =	stream.linear.gather [hbm4b:s25+s2], $0x80, $0x38;
	[tilespmem:$0x3000] =	vst v63  }
0x97: {  	s1 =	sadd.s32 $0x200, s10;
	s3 =	simm.s32 $0x1380  }
0x98: {  	[tilespmem:s3], [sflag:$0x1] =	stream.linear.gather [hbm4b:s1+s2], $0x80, $0x38;
	[tilespmem:$0x3000] =	vst v63  }
0x99: {  	s23 =	sadd.s32 $0x280, s10;
	s24 =	simm.s32 $0x1780  }
0x9a: {  	[tilespmem:s24], [sflag:$0x1] =	stream.linear.gather [hbm4b:s23+s2], $0x80, $0x38;
	[tilespmem:$0x3000] =	vst v63  }
0x9b: {  	s25 =	sadd.s32 $0x300, s10;
	s26 =	simm.s32 $0x1B80  }
0x9c: {  	[tilespmem:s26], [sflag:$0x1] =	stream.linear.gather [hbm4b:s25+s2], $0x80, $0x38;
	[tilespmem:$0x3000] =	vst v63  }
0x9d: {  	s1 =	sadd.s32 $0x380, s10;
	s3 =	simm.s32 $0x1F80  }
0x9e: {  	[tilespmem:s3], [sflag:$0x1] =	stream.linear.gather [hbm4b:s1+s2], $0x80, $0x38;
	[tilespmem:$0x3000] =	vst v63  }
0x9f: {  	s23 =	simm.s32 $0x0;
	_ =	swait.ge [sflag:s31], $0x400  }
0xa0: {  	s24 =	sand.u32 $0x70, s2;
	s1 =	sand.u32 $0x3FFFFC00, s23;
	[sflag:s31] =	ssyncset.done $0x0  }
0xa1: {  	s1 =	sor.u32 s24, s1;
	[sflag:s31] =	ssyncadd.s32 $0xFFFFFC00  }
0xa2: {  	v2 =	vld [tilespmem:s1+$0x0]  }
0xa3: {  	v3 =	vld [tilespmem:s1+$0x80];
	_ =	sdelay $0x1  }
0xa4: {  	v4 =	vld [tilespmem:s1+$0x100];
	_ =	sdelay $0x1  }
0xa5: {  	v5 =	vld [tilespmem:s1+$0x180]  }
0xa6: {  	vm0 =	vgt.f32 v3, v2  }
0xa7: {  	v6 =	vld [tilespmem:s1+$0x200];
	v7 =	vsel vm0, v3, v2  }
0xa8: {  	vm1 =	vgt.f32 v4, v7  }
0xa9: {  	v8 =	vld [tilespmem:s1+$0x280];
	v7 =	vsel vm1, v4, v7  }
0xaa: {  	vm2 =	vgt.f32 v5, v7  }
0xab: {  	v9 =	vld [tilespmem:s1+$0x300];
	v7 =	vsel vm2, v5, v7  }
0xac: {  	vm3 =	vgt.f32 v6, v7  }
0xad: {  	v10 =	vld [tilespmem:s1+$0x380];
	v7 =	vsel vm3, v6, v7  }
0xae: {  	v11 =	vsel vm0, $0x1, v0;
	vm7 =	vgt.f32 v8, v7  }
0xaf: {  	v11 =	vsel vm1, $0x2, v11;
	v7 =	vsel vm7, v8, v7  }
0xb0: {  	v11 =	vsel vm2, $0x3, v11;
	vm1 =	vgt.f32 v9, v7  }
0xb1: {  	v11 =	vsel vm3, $0x4, v11;
	v7 =	vsel vm1, v9, v7  }
0xb2: {  	v11 =	vsel vm7, $0x5, v11;
	vm8 =	vgt.f32 v10, v7  }
0xb3: {  	v11 =	vsel vm1, $0x6, v11;
	vm2 =	vmneg vm8  }
0xb4: {  	v11 =	vnsel vm2, $0x7, v11  }
0xb5: {  	vm9 =	veq.s32 v11, $0x0  }
0xb6: {  	v2 =	vsel vm9, $0xFF800000, v2  }
0xb7: {  	vm0 =	vlt.f32 v2, $-Inf;
	vm10 =	vgt.f32 v2, $-Inf  }
0xb8: {  	vm4 =	veq.s32 v11, $0x1;
	vm0 =	vmor vm10, vm0  }
0xb9: {  	v3 =	vsel vm4, $0xFF800000, v3;
	v2 =	vnsel vm0, $0xFF800000, v2  }
0xba: {  	v7 =	vsel vm2, v7, v10;
	vm11 =	veq.s32 v11, $0x2;
	vm12 =	vgt.f32 v3, v2  }
0xbb: {  	v7 =	vsub.f32 $0.0e+00, v7;
	v4 =	vsel vm11, $0xFF800000, v4;
	v2 =	vsel vm12, v3, v2  }
0xbc: {  	vm13 =	veq.s32 v11, $0x3;
	vm5 =	vgt.f32 v4, v2  }
0xbd: {  	v5 =	vsel vm13, $0xFF800000, v5;
	v3 =	vmul.f32 $1.442695020e+00, v7;
	v2 =	vsel vm5, v4, v2  }
0xbe: {  	vm14 =	veq.s32 v11, $0x4;
	vm6 =	vgt.f32 v5, v2  }
0xbf: {  	(erf) = vpow2.f32 v3;
	v3 =	vsel vm14, $0xFF800000, v6;
	v2 =	vsel vm6, v5, v2  }
0xc0: {  	vm15 =	veq.s32 v11, $0x5;
	vm7 =	vgt.f32 v3, v2  }
0xc1: {  	v61 =	vsel vm15, $0xFF800000, v8;
	v2 =	vsel vm7, v3, v2  }
0xc2: {  	vm1 =	vmand vm1, vm2;
	vm4 =	vgt.f32 v61, v2  }
0xc3: {  	v3 =	vsel vm1, $0xFF800000, v9;
	v2 =	vsel vm4, v61, v2  }
0xc4: {  	vm1 =	vgt.f32 v3, v2  }
0xc5: {  	v62 =	vnsel vm2, $0xFF800000, v10;
	v2 =	vsel vm1, v3, v2  }
0xc6: {  	vm2 =	vgt.f32 v62, v2  }
0xc7: {  	v2 =	vsel vm2, v62, v2  }
0xc8: {  	v3 =	vpop (erf);
	v2 =	vsub.f32 $0.0e+00, v2  }
0xc9: {  	v3 =	vadd.f32 $1.000000000e+00, v3  }
0xca: {  	v2 =	vmul.f32 $1.442695020e+00, v2  }
0xcb: {  	(erf) = vrcp.f32 v3  }
0xcc: {  	(erf) = vpow2.f32 v2;
	_ =	sdelay $0x7  }
0xcd: {  	v3 =	vpop (erf)  }
0xce: {  	v63 =	vpop (erf)  }
0xcf: {  	v4 =	vadd.f32 $1.000000000e+00, v63  }
0xd0: {  	v2 =	vsel vm0, $0x0, v1  }
0xd1: {  	v2 =	vsel vm12, $0x1, v2;
	(erf) = vrcp.f32 v4  }
0xd2: {  	v2 =	vsel vm5, $0x2, v2  }
0xd3: {  	s25 =	simm.s32 $0x0;
	v2 =	vsel vm6, $0x3, v2  }
0xd4: {  	s1 =	sand.u32 $0xFFFFFF00, s25;
	v2 =	vsel vm7, $0x4, v2  }
0xd5: {  	s24 =	sor.u32 s24, s1;
	v2 =	vsel vm4, $0x5, v2  }
0xd6: {  	[tilespmem:s24+$0x2800] =	vst v11;
	v2 =	vsel vm1, $0x6, v2  }
0xd7: {  	s28 =	simm.s32 $0x80;
	s0 =	simm.s32 $0x1;
	s26 =	simm.s32 $0x10;
	v2 =	vsel vm2, $0x7, v2;
	[tilespmem:s24+$0x2000] =	vst v3  }
0xd8: {  	s30 =	sand.u32 $0x70, s26;
	s23 =	simm.s32 $0x2;
	s1 =	simm.s32 $0x20;
	[tilespmem:s24+$0x2880] =	vst v2  }
.LBB2_2:
0xd9: {  	s25 =	sand.u32 $0x70, s1  }
0xda: {  	s28 =	sand.u32 $0x3FFFFC00, s28;
	v2 =	vpop (erf);
	s3 =	smov.u32 s23;
	s26 =	sadd.s32 $0x1, s23  }
0xdb: {  	p0 =	sne.s32 s23, $0x3F;
	s23 =	sor.u32 s30, s28;
	[tilespmem:s24+$0x2080] =	vst v2  }
0xdc: {  	v2 =	vld [tilespmem:s23+$0x0]  }
0xdd: {  	v3 =	vld [tilespmem:s23+$0x80]  }
0xde: {  	v4 =	vld [tilespmem:s23+$0x100];
	_ =	sdelay $0x1  }
0xdf: {  	v5 =	vld [tilespmem:s23+$0x180];
	_ =	sdelay $0x1  }
0xe0: {  	v6 =	vld [tilespmem:s23+$0x200];
	vm0 =	vgt.f32 v3, v2  }
0xe1: {  	v7 =	vsel vm0, v3, v2  }
0xe2: {  	v8 =	vld [tilespmem:s23+$0x280];
	vm1 =	vgt.f32 v4, v7  }
0xe3: {  	v7 =	vsel vm1, v4, v7  }
0xe4: {  	v9 =	vld [tilespmem:s23+$0x300];
	vm2 =	vgt.f32 v5, v7  }
0xe5: {  	v7 =	vsel vm2, v5, v7  }
0xe6: {  	v10 =	vld [tilespmem:s23+$0x380];
	vm3 =	vgt.f32 v6, v7  }
0xe7: {  	v11 =	vsel vm0, $0x1, v0;
	v7 =	vsel vm3, v6, v7  }
0xe8: {  	v11 =	vsel vm1, $0x2, v11;
	vm0 =	vgt.f32 v8, v7  }
0xe9: {  	v11 =	vsel vm2, $0x3, v11;
	v7 =	vsel vm0, v8, v7  }
0xea: {  	v11 =	vsel vm3, $0x4, v11;
	vm1 =	vgt.f32 v9, v7  }
0xeb: {  	v11 =	vsel vm0, $0x5, v11;
	v7 =	vsel vm1, v9, v7  }
0xec: {  	s23 =	sshll.u32 s0, $0x5;
	s0 =	smov.u32 s3;
	v11 =	vsel vm1, $0x6, v11;
	vm0 =	vgt.f32 v10, v7  }
0xed: {  	s3 =	sand.u32 $0xFFFFFF00, s23;
	vm0 =	vmneg vm0  }
0xee: {  	s24 =	sor.u32 s30, s3;
	s30 =	smov.u32 s25;
	v7 =	vsel vm0, v7, v10;
	v11 =	vnsel vm0, $0x7, v11;
	vm1 =	vmand vm1, vm0  }
0xef: {  	vm2 =	veq.s32 v11, $0x0;
	vm3 =	veq.s32 v11, $0x1;
	vm4 =	veq.s32 v11, $0x2;
	[tilespmem:s24+$0x2800] =	vst v11  }
0xf0: {  	vm5 =	veq.s32 v11, $0x4;
	v2 =	vsel vm2, $0xFF800000, v2;
	vm2 =	veq.s32 v11, $0x3  }
0xf1: {  	vm8 =	veq.s32 v11, $0x5;
	vm6 =	vlt.f32 v2, $-Inf;
	vm7 =	vgt.f32 v2, $-Inf  }
0xf2: {  	v7 =	vsub.f32 $0.0e+00, v7;
	v3 =	vsel vm3, $0xFF800000, v3;
	vm6 =	vmor vm7, vm6  }
0xf3: {  	v2 =	vnsel vm6, $0xFF800000, v2;
	v11 =	vsel vm6, $0x0, v1  }
0xf4: {  	v4 =	vsel vm4, $0xFF800000, v4;
	v7 =	vmul.f32 $1.442695020e+00, v7;
	vm3 =	vgt.f32 v3, v2  }
0xf5: {  	v2 =	vsel vm3, v3, v2;
	v3 =	vsel vm3, $0x1, v11  }
0xf6: {  	v5 =	vsel vm2, $0xFF800000, v5;
	vm3 =	vgt.f32 v4, v2;
	(erf) = vpow2.f32 v7  }
0xf7: {  	v2 =	vsel vm3, v4, v2;
	v3 =	vsel vm3, $0x2, v3  }
0xf8: {  	v4 =	vsel vm5, $0xFF800000, v6;
	vm2 =	vgt.f32 v5, v2  }
0xf9: {  	v2 =	vsel vm2, v5, v2;
	v3 =	vsel vm2, $0x3, v3  }
0xfa: {  	v5 =	vsel vm8, $0xFF800000, v8;
	vm2 =	vgt.f32 v4, v2  }
0xfb: {  	v2 =	vsel vm2, v4, v2;
	v3 =	vsel vm2, $0x4, v3  }
0xfc: {  	v4 =	vsel vm1, $0xFF800000, v9;
	vm2 =	vgt.f32 v5, v2  }
0xfd: {  	v2 =	vsel vm2, v5, v2;
	v3 =	vsel vm2, $0x5, v3  }
0xfe: {  	v5 =	vnsel vm0, $0xFF800000, v10;
	vm1 =	vgt.f32 v4, v2  }
0xff: {  	v2 =	vsel vm1, v4, v2;
	v4 =	vpop (erf)  }
0x100: {  	v3 =	vsel vm1, $0x6, v3;
	vm0 =	vgt.f32 v5, v2;
	v4 =	vadd.f32 $1.000000000e+00, v4  }
0x101: {  	v2 =	vsel vm0, v5, v2;
	v3 =	vsel vm0, $0x7, v3  }
0x102: {  	v2 =	vsub.f32 $0.0e+00, v2;
	[tilespmem:s24+$0x2880] =	vst v3;
	(erf) = vrcp.f32 v4;
	_ =	sdelay $0x1  }
0x103: {  	v2 =	vmul.f32 $1.442695020e+00, v2;
	_ =	sdelay $0x1  }
0x104: {  	(erf) = vpow2.f32 v2;
	_ =	sdelay $0x4  }
0x105: {  	v2 =	vpop (erf)  }
0x106: {  	[tilespmem:s24+$0x2000] =	vst v2;
	_ =	sdelay $0x2  }
0x107: {  	v2 =	vpop (erf)  }
0x108: {  	v2 =	vadd.f32 $1.000000000e+00, v2;
	_ =	sdelay $0x1  }
0x109: {  	(erf) = vrcp.f32 v2;
	_ =	sdelay $0x3  }
.Ltmp0:
0x10a: {  	(pc) =	sbr.rel @p0 .LBB2_2-.Ltmp0, $2  }
0x10b: {  	_ =	sdelay $0x2  }
0x10c: {  	s1 =	sadd.s32 $0x10, s1;
	s28 =	sshll.u32 s0, $0x7;
	s23 =	smov.u32 s26  }
0x10d: {  	s1 =	sand.u32 $0x3FFFFC00, s28;
	v2 =	vpop (erf)  }
0x10e: {  	[tilespmem:s24+$0x2080] =	vst v2;
	s1 =	sor.u32 s30, s1  }
0x10f: {  	v2 =	vld [tilespmem:s1+$0x0]  }
0x110: {  	v3 =	vld [tilespmem:s1+$0x80];
	_ =	sdelay $0x1  }
0x111: {  	v4 =	vld [tilespmem:s1+$0x100];
	_ =	sdelay $0x1  }
0x112: {  	v5 =	vld [tilespmem:s1+$0x180]  }
0x113: {  	vm0 =	vgt.f32 v3, v2  }
0x114: {  	v6 =	vld [tilespmem:s1+$0x200];
	v7 =	vsel vm0, v3, v2  }
0x115: {  	vm1 =	vgt.f32 v4, v7  }
0x116: {  	v8 =	vld [tilespmem:s1+$0x280];
	v7 =	vsel vm1, v4, v7  }
0x117: {  	vm2 =	vgt.f32 v5, v7  }
0x118: {  	v9 =	vld [tilespmem:s1+$0x300];
	v7 =	vsel vm2, v5, v7  }
0x119: {  	vm3 =	vgt.f32 v6, v7  }
0x11a: {  	v10 =	vld [tilespmem:s1+$0x380];
	v7 =	vsel vm3, v6, v7  }
0x11b: {  	v11 =	vsel vm0, $0x1, v0;
	vm7 =	vgt.f32 v8, v7  }
0x11c: {  	v11 =	vsel vm1, $0x2, v11;
	v7 =	vsel vm7, v8, v7  }
0x11d: {  	v11 =	vsel vm2, $0x3, v11;
	vm2 =	vgt.f32 v9, v7  }
0x11e: {  	v11 =	vsel vm3, $0x4, v11;
	v7 =	vsel vm2, v9, v7  }
0x11f: {  	v11 =	vsel vm7, $0x5, v11;
	vm8 =	vgt.f32 v10, v7  }
0x120: {  	v11 =	vsel vm2, $0x6, v11;
	vm9 =	vmneg vm8  }
0x121: {  	v11 =	vnsel vm9, $0x7, v11  }
0x122: {  	vm10 =	veq.s32 v11, $0x0  }
0x123: {  	v2 =	vsel vm10, $0xFF800000, v2  }
0x124: {  	vm0 =	vlt.f32 v2, $-Inf;
	vm11 =	vgt.f32 v2, $-Inf  }
0x125: {  	vm4 =	veq.s32 v11, $0x1;
	vm0 =	vmor vm11, vm0  }
0x126: {  	v3 =	vsel vm4, $0xFF800000, v3;
	v2 =	vnsel vm0, $0xFF800000, v2  }
0x127: {  	v7 =	vsel vm9, v7, v10;
	vm12 =	veq.s32 v11, $0x2;
	vm13 =	vgt.f32 v3, v2  }
0x128: {  	v7 =	vsub.f32 $0.0e+00, v7;
	v4 =	vsel vm12, $0xFF800000, v4;
	v2 =	vsel vm13, v3, v2  }
0x129: {  	vm5 =	veq.s32 v11, $0x3;
	vm4 =	vgt.f32 v4, v2  }
0x12a: {  	v5 =	vsel vm5, $0xFF800000, v5;
	v3 =	vmul.f32 $1.442695020e+00, v7;
	v2 =	vsel vm4, v4, v2  }
0x12b: {  	vm14 =	veq.s32 v11, $0x4;
	vm6 =	vgt.f32 v5, v2  }
0x12c: {  	(erf) = vpow2.f32 v3;
	v3 =	vsel vm14, $0xFF800000, v6;
	v2 =	vsel vm6, v5, v2  }
0x12d: {  	vm15 =	veq.s32 v11, $0x5;
	vm7 =	vgt.f32 v3, v2  }
0x12e: {  	v61 =	vsel vm15, $0xFF800000, v8;
	v2 =	vsel vm7, v3, v2  }
0x12f: {  	vm2 =	vmand vm2, vm9;
	vm5 =	vgt.f32 v61, v2  }
0x130: {  	v3 =	vsel vm2, $0xFF800000, v9;
	v2 =	vsel vm5, v61, v2  }
0x131: {  	vm2 =	vgt.f32 v3, v2  }
0x132: {  	v62 =	vnsel vm9, $0xFF800000, v10;
	v2 =	vsel vm2, v3, v2  }
0x133: {  	vm3 =	vgt.f32 v62, v2  }
0x134: {  	v2 =	vsel vm3, v62, v2  }
0x135: {  	v3 =	vpop (erf);
	v2 =	vsub.f32 $0.0e+00, v2  }
0x136: {  	v3 =	vadd.f32 $1.000000000e+00, v3  }
0x137: {  	v2 =	vmul.f32 $1.442695020e+00, v2  }
0x138: {  	(erf) = vrcp.f32 v3  }
0x139: {  	(erf) = vpow2.f32 v2;
	_ =	sdelay $0x7  }
0x13a: {  	v2 =	vpop (erf)  }
0x13b: {  	v3 =	vpop (erf)  }
0x13c: {  	v3 =	vadd.f32 $1.000000000e+00, v3;
	_ =	sdelay $0x1  }
0x13d: {  	(erf) = vrcp.f32 v3  }
0x13e: {  	v63 =	vsel vm0, $0x0, v1  }
0x13f: {  	v3 =	vsel vm13, $0x1, v63  }
0x140: {  	v3 =	vsel vm4, $0x2, v3  }
0x141: {  	s0 =	sshll.u32 s0, $0x5;
	v3 =	vsel vm6, $0x3, v3  }
0x142: {  	s0 =	sand.u32 $0xFFFFFF00, s0;
	v3 =	vsel vm7, $0x4, v3  }
0x143: {  	s0 =	sor.u32 s30, s0;
	v3 =	vsel vm5, $0x5, v3  }
0x144: {  	[tilespmem:s0+$0x2800] =	vst v11;
	v3 =	vsel vm2, $0x6, v3  }
0x145: {  	[tilespmem:s0+$0x2000] =	vst v2;
	v3 =	vsel vm3, $0x7, v3  }
0x146: {  	[tilespmem:s0+$0x2880] =	vst v3;
	v2 =	vpop (erf)  }
0x147: {  	s3 =	simm.s32 $0x2000;
	[tilespmem:s0+$0x2080] =	vst v2  }
0x148: {  	[hbm4b:s11+s2] =	stream.linear.scatter [tilespmem:s3], [sflag:$0x1], $0x80, $0x38;
	[tilespmem:$0x3000] =	vst v63  }
0x149: {  	s23 =	sadd.s32 $0x20, s11;
	s24 =	simm.s32 $0x2100  }
0x14a: {  	[hbm4b:s23+s2] =	stream.linear.scatter [tilespmem:s24], [sflag:$0x1], $0x80, $0x38;
	[tilespmem:$0x3000] =	vst v63  }
0x14b: {  	s25 =	sadd.s32 $0x40, s11;
	s26 =	simm.s32 $0x2200  }
0x14c: {  	[hbm4b:s25+s2] =	stream.linear.scatter [tilespmem:s26], [sflag:$0x1], $0x80, $0x38;
	[tilespmem:$0x3000] =	vst v63  }
0x14d: {  	s28 =	sadd.s32 $0x60, s11;
	s30 =	simm.s32 $0x2300  }
0x14e: {  	[hbm4b:s28+s2] =	stream.linear.scatter [tilespmem:s30], [sflag:$0x1], $0x80, $0x38;
	[tilespmem:$0x3000] =	vst v63  }
0x14f: {  	s1 =	sadd.s32 $0x80, s11;
	s3 =	simm.s32 $0x2400  }
0x150: {  	[hbm4b:s1+s2] =	stream.linear.scatter [tilespmem:s3], [sflag:$0x1], $0x80, $0x38;
	[tilespmem:$0x3000] =	vst v63  }
0x151: {  	s23 =	sadd.s32 $0xA0, s11;
	s24 =	simm.s32 $0x2500  }
0x152: {  	[hbm4b:s23+s2] =	stream.linear.scatter [tilespmem:s24], [sflag:$0x1], $0x80, $0x38;
	[tilespmem:$0x3000] =	vst v63  }
0x153: {  	s25 =	sadd.s32 $0xC0, s11;
	s26 =	simm.s32 $0x2600  }
0x154: {  	[hbm4b:s25+s2] =	stream.linear.scatter [tilespmem:s26], [sflag:$0x1], $0x80, $0x38;
	[tilespmem:$0x3000] =	vst v63  }
0x155: {  	s28 =	sadd.s32 $0xE0, s11;
	s30 =	simm.s32 $0x2700  }
0x156: {  	[hbm4b:s28+s2] =	stream.linear.scatter [tilespmem:s30], [sflag:$0x1], $0x80, $0x38;
	[tilespmem:$0x3000] =	vst v63  }
0x157: {  	_ =	swait.ge [sflag:s31], $0x400  }
0x158: {  	[sflag:s31] =	ssyncset.done $0x0  }
0x159: {  	s3 =	simm.s32 $0x2800;
	[sflag:s31] =	ssyncadd.s32 $0xFFFFFC00  }
0x15a: {  	[hbm4b:s12+s2] =	stream.linear.scatter [tilespmem:s3], [sflag:$0x1], $0x80, $0x38;
	[tilespmem:$0x3000] =	vst v63  }
0x15b: {  	s23 =	sadd.s32 $0x20, s12;
	s24 =	simm.s32 $0x2900  }
0x15c: {  	[hbm4b:s23+s2] =	stream.linear.scatter [tilespmem:s24], [sflag:$0x1], $0x80, $0x38;
	[tilespmem:$0x3000] =	vst v63  }
0x15d: {  	s25 =	sadd.s32 $0x40, s12;
	s26 =	simm.s32 $0x2A00  }
0x15e: {  	[hbm4b:s25+s2] =	stream.linear.scatter [tilespmem:s26], [sflag:$0x1], $0x80, $0x38;
	[tilespmem:$0x3000] =	vst v63  }
0x15f: {  	s28 =	sadd.s32 $0x60, s12;
	s30 =	simm.s32 $0x2B00  }
0x160: {  	[hbm4b:s28+s2] =	stream.linear.scatter [tilespmem:s30], [sflag:$0x1], $0x80, $0x38;
	[tilespmem:$0x3000] =	vst v63  }
0x161: {  	s1 =	sadd.s32 $0x80, s12;
	s3 =	simm.s32 $0x2C00  }
0x162: {  	[hbm4b:s1+s2] =	stream.linear.scatter [tilespmem:s3], [sflag:$0x1], $0x80, $0x38;
	[tilespmem:$0x3000] =	vst v63  }
0x163: {  	s23 =	sadd.s32 $0xA0, s12;
	s24 =	simm.s32 $0x2D00  }
0x164: {  	[hbm4b:s23+s2] =	stream.linear.scatter [tilespmem:s24], [sflag:$0x1], $0x80, $0x38;
	[tilespmem:$0x3000] =	vst v63  }
0x165: {  	s25 =	sadd.s32 $0xC0, s12;
	s26 =	simm.s32 $0x2E00  }
0x166: {  	[hbm4b:s25+s2] =	stream.linear.scatter [tilespmem:s26], [sflag:$0x1], $0x80, $0x38;
	[tilespmem:$0x3000] =	vst v63  }
0x167: {  	s28 =	sadd.s32 $0xE0, s12;
	s30 =	simm.s32 $0x2F00  }
0x168: {  	[hbm4b:s28+s2] =	stream.linear.scatter [tilespmem:s30], [sflag:$0x1], $0x80, $0x38;
	[tilespmem:$0x3000] =	vst v63  }
0x169: {  	_ =	swait.ge [sflag:s31], $0x400  }
0x16a: {  	[sflag:s31] =	ssyncset.done $0x0  }
0x16b: {  	s3 =	simm.s32 $0x2080;
	[sflag:s31] =	ssyncadd.s32 $0xFFFFFC00  }
0x16c: {  	[hbm4b:s13+s2] =	stream.linear.scatter [tilespmem:s3], [sflag:$0x1], $0x80, $0x38;
	[tilespmem:$0x3000] =	vst v63  }
0x16d: {  	s23 =	sadd.s32 $0x20, s13;
	s24 =	simm.s32 $0x2180  }
0x16e: {  	[hbm4b:s23+s2] =	stream.linear.scatter [tilespmem:s24], [sflag:$0x1], $0x80, $0x38;
	[tilespmem:$0x3000] =	vst v63  }
0x16f: {  	s25 =	sadd.s32 $0x40, s13;
	s26 =	simm.s32 $0x2280  }
0x170: {  	[hbm4b:s25+s2] =	stream.linear.scatter [tilespmem:s26], [sflag:$0x1], $0x80, $0x38;
	[tilespmem:$0x3000] =	vst v63  }
0x171: {  	s28 =	sadd.s32 $0x60, s13;
	s30 =	simm.s32 $0x2380  }
0x172: {  	[hbm4b:s28+s2] =	stream.linear.scatter [tilespmem:s30], [sflag:$0x1], $0x80, $0x38;
	[tilespmem:$0x3000] =	vst v63  }
0x173: {  	s1 =	sadd.s32 $0x80, s13;
	s3 =	simm.s32 $0x2480  }
0x174: {  	[hbm4b:s1+s2] =	stream.linear.scatter [tilespmem:s3], [sflag:$0x1], $0x80, $0x38;
	[tilespmem:$0x3000] =	vst v63  }
0x175: {  	s23 =	sadd.s32 $0xA0, s13;
	s24 =	simm.s32 $0x2580  }
0x176: {  	[hbm4b:s23+s2] =	stream.linear.scatter [tilespmem:s24], [sflag:$0x1], $0x80, $0x38;
	[tilespmem:$0x3000] =	vst v63  }
0x177: {  	s25 =	sadd.s32 $0xC0, s13;
	s26 =	simm.s32 $0x2680  }
0x178: {  	[hbm4b:s25+s2] =	stream.linear.scatter [tilespmem:s26], [sflag:$0x1], $0x80, $0x38;
	[tilespmem:$0x3000] =	vst v63  }
0x179: {  	s28 =	sadd.s32 $0xE0, s13;
	s30 =	simm.s32 $0x2780  }
0x17a: {  	[hbm4b:s28+s2] =	stream.linear.scatter [tilespmem:s30], [sflag:$0x1], $0x80, $0x38;
	[tilespmem:$0x3000] =	vst v63  }
0x17b: {  	_ =	swait.ge [sflag:s31], $0x400  }
0x17c: {  	[sflag:s31] =	ssyncset.done $0x0  }
0x17d: {  	s3 =	simm.s32 $0x2880;
	[sflag:s31] =	ssyncadd.s32 $0xFFFFFC00  }
0x17e: {  	[hbm4b:s14+s2] =	stream.linear.scatter [tilespmem:s3], [sflag:$0x1], $0x80, $0x38;
	[tilespmem:$0x3000] =	vst v63  }
0x17f: {  	s23 =	sadd.s32 $0x20, s14;
	s24 =	simm.s32 $0x2980  }
0x180: {  	[hbm4b:s23+s2] =	stream.linear.scatter [tilespmem:s24], [sflag:$0x1], $0x80, $0x38;
	[tilespmem:$0x3000] =	vst v63  }
0x181: {  	s25 =	sadd.s32 $0x40, s14;
	s26 =	simm.s32 $0x2A80  }
0x182: {  	[hbm4b:s25+s2] =	stream.linear.scatter [tilespmem:s26], [sflag:$0x1], $0x80, $0x38;
	[tilespmem:$0x3000] =	vst v63  }
0x183: {  	s28 =	sadd.s32 $0x60, s14;
	s30 =	simm.s32 $0x2B80  }
0x184: {  	[hbm4b:s28+s2] =	stream.linear.scatter [tilespmem:s30], [sflag:$0x1], $0x80, $0x38;
	[tilespmem:$0x3000] =	vst v63  }
0x185: {  	s1 =	sadd.s32 $0x80, s14;
	s3 =	simm.s32 $0x2C80  }
0x186: {  	[hbm4b:s1+s2] =	stream.linear.scatter [tilespmem:s3], [sflag:$0x1], $0x80, $0x38;
	[tilespmem:$0x3000] =	vst v63  }
0x187: {  	s29 =	sadd.s32 $0x1, s29;
	s23 =	sadd.s32 $0xA0, s14;
	s24 =	simm.s32 $0x2D80  }
0x188: {  	[hbm4b:s23+s2] =	stream.linear.scatter [tilespmem:s24], [sflag:$0x1], $0x80, $0x38;
	[tilespmem:$0x3000] =	vst v63  }
0x189: {  	p0 =	sne.s32 s29, s15;
	s25 =	sadd.s32 $0xC0, s14;
	s26 =	simm.s32 $0x2E80  }
0x18a: {  	[hbm4b:s25+s2] =	stream.linear.scatter [tilespmem:s26], [sflag:$0x1], $0x80, $0x38;
	[tilespmem:$0x3000] =	vst v63  }
.Ltmp1:
0x18b: {  	s28 =	sadd.s32 $0xE0, s14;
	s30 =	simm.s32 $0x2F80;
	(pc) =	sbr.rel @p0 .LBB2_1-.Ltmp1, $4  }
0x18c: {  	[hbm4b:s28+s2] =	stream.linear.scatter [tilespmem:s30], [sflag:$0x1], $0x80, $0x38;
	[tilespmem:$0x3000] =	vst v63  }
0x18d: {  	_ =	swait.ge [sflag:s31], $0x400  }
0x18e: {  	[sflag:s31] =	ssyncset.done $0x0  }
0x18f: {  	[sflag:s31] =	ssyncadd.s32 $0xFFFFFC00  }
0x190: {  	_ =	sfence.sel $0x180000  }
0x191: {  	[bflag:$0x0] =	sbarrier.arrive $0xFFFF  }
0x192: {  	_ =	strace $0x90000047  }
0x193: {  	s0 =	stileid.u32;
	[bflag:$0x2] =	sbarrier.arrive $0xFFFF  }
0x194: {  	p0 =	sne.s32 s0, $0x0;
	s0 =	rddreg [dreg:$0x3]  }
0x195: {  	s0 =	sadd.s32 @!p0 $0x100000, s0  }
0x196: {  	[sflag:s0] =	ssyncadd.tile.s32 @!p0 $0x1;
	_ =	shalt  }
.Lfunc_end2:
_tile_overlayer_lowered:
.L_overlay_start_2:
0x197: {  	(tag) =	ssettag $0x2  }
0x198: {  	s0 =	rddreg [dreg:$0x0];
	s2 =	stileid.u32  }
0x199: {  	s1 =	rddreg [dreg:$0x1];
	p0 =	sne.s32 s2, $0x0  }
0x19a: {  	s3 =	rddreg [dreg:$0x2];
	[bflag:$0x3] =	sbarrier.arrive $0xFFFF;
	s2 =	simm.s32 @!p0 $0x1C01  }
0x19b: {  	[timem:s3], [sflag:s2] =	dma.local @!p0 [hbm:s0], s1  }
0x19c: {  	s0 =	simm.s32 @!p0 $0x1  }
0x19d: {  	_ =	swait.ge @!p0 [sflag:s0], s1  }
0x19e: {  	s1 =	ssub.s32 @!p0 $0x0, s1;
	[sflag:s0] =	ssyncset.done @!p0 $0x0  }
0x19f: {  	[sflag:s0] =	ssyncadd.s32 @!p0 s1  }
0x1a0: {  	[bflag:$0x3] =	sbarrier.arrive $0xFFFF  }
0x1a1: {  	_ =	shalt  }

</sc_bundles>
